<compile_context>
chip_gen: v7x
topology: tpu7x:2x2x1
jax: 0.10.2.dev20260603
libtpu: 0.0.44.dev20260713+nightly
codegen_flags: <defaults>
</compile_context>

<pallas_src>
import jax
import jax.numpy as jnp
from jax import lax
from jax.experimental import pallas as pl
from jax.experimental.pallas import tpu as pltpu
from jax.experimental.pallas import tpu_sc as plsc

BATCH = 16384
EMBED_DIM = 64
NUM_CORES = 2
NUM_SUBCORES = 16
NUM_WORKERS = NUM_CORES * NUM_SUBCORES
BPW = BATCH // NUM_WORKERS
CHUNK = 128
NCHUNK = BPW // CHUNK
LANES = 16
NGROUP = BPW // LANES


def _sc_body(users_hbm, items_hbm, uembt_hbm, iembt_hbm, ub_hbm, ib_hbm,
             gb_hbm, out_hbm,
             uidx_v, iidx_v, uval_v, ival_v, ubias_v, ibias_v, gb_v,
             out_v, sem, bsem):
    wid = lax.axis_index("s") * NUM_CORES + lax.axis_index("c")
    base = wid * BPW

    for j in range(NCHUNK):
        pltpu.sync_copy(users_hbm.at[pl.ds(base + j * CHUNK, CHUNK)],
                        uidx_v.at[j])
        pltpu.sync_copy(items_hbm.at[pl.ds(base + j * CHUNK, CHUNK)],
                        iidx_v.at[j])
    pltpu.sync_copy(gb_hbm, gb_v)

    for j in range(NCHUNK):
        sl = pl.ds(j * CHUNK, CHUNK)
        pltpu.async_copy(ub_hbm.at[uidx_v.at[j]], ubias_v.at[sl], bsem)
        pltpu.async_copy(ib_hbm.at[iidx_v.at[j]], ibias_v.at[sl], bsem)

    def fire(d):
        cs = []
        for j in range(NCHUNK):
            sl = pl.ds(j * CHUNK, CHUNK)
            cs.append(pltpu.async_copy(uembt_hbm.at[d].at[uidx_v.at[j]],
                                       uval_v.at[d, sl], sem))
            cs.append(pltpu.async_copy(iembt_hbm.at[d].at[iidx_v.at[j]],
                                       ival_v.at[d, sl], sem))
        return cs

    def d_body(d, _):
        for c in fire(d):
            c.wait()
        return 0

    lax.fori_loop(0, EMBED_DIM, d_body, 0)

    iota = jnp.arange(LANES, dtype=jnp.int32)
    gbias = gb_v[...]

    def group_body(g, _):
        sl = pl.ds(g * LANES, LANES)
        acc = jnp.zeros((LANES,), dtype=jnp.float32)
        for d in range(EMBED_DIM):
            acc = acc + uval_v[d, sl] * ival_v[d, sl]
        return_val = acc + ubias_v[sl] + ibias_v[sl] + gbias
        out_v[sl] = return_val
        return 0

    for j in range(NCHUNK):
        sl = pl.ds(j * CHUNK, CHUNK)
        pltpu.make_async_copy(ub_hbm.at[uidx_v.at[j]], ubias_v.at[sl],
                              bsem).wait()
        pltpu.make_async_copy(ib_hbm.at[iidx_v.at[j]], ibias_v.at[sl],
                              bsem).wait()

    lax.fori_loop(0, NGROUP, group_body, 0)

    pltpu.sync_copy(out_v, out_hbm.at[pl.ds(base, BPW)])


@jax.jit
def _bpr_scores(users, items, uembt, iembt, user_bias, item_bias, gb16):
    mesh = plsc.VectorSubcoreMesh(core_axis_name="c", subcore_axis_name="s",
                                  num_cores=NUM_CORES,
                                  num_subcores=NUM_SUBCORES)
    f = pl.kernel(
        _sc_body,
        out_type=jax.ShapeDtypeStruct((BATCH,), jnp.float32),
        mesh=mesh,
        compiler_params=pltpu.CompilerParams(needs_layout_passes=False,
                                             use_tc_tiling_on_sc=False),
        scratch_types=[
            pltpu.VMEM((NCHUNK, CHUNK), jnp.int32),
            pltpu.VMEM((NCHUNK, CHUNK), jnp.int32),
            pltpu.VMEM((EMBED_DIM, BPW), jnp.float32),
            pltpu.VMEM((EMBED_DIM, BPW), jnp.float32),
            pltpu.VMEM((BPW,), jnp.float32),
            pltpu.VMEM((BPW,), jnp.float32),
            pltpu.VMEM((LANES,), jnp.float32),
            pltpu.VMEM((BPW,), jnp.float32),
            pltpu.SemaphoreType.DMA,
            pltpu.SemaphoreType.DMA,
        ],
    )
    return f(users, items, uembt, iembt, user_bias, item_bias, gb16)


def kernel(users, items, user_emb_w, item_emb_w, user_bias_w, item_bias_w,
           global_bias):
    users = users.astype(jnp.int32)
    items = items.astype(jnp.int32)
    gb16 = jnp.broadcast_to(global_bias.reshape(()), (16,))
    return _bpr_scores(users, items, user_emb_w.T, item_emb_w.T,
                       user_bias_w.reshape(-1), item_bias_w.reshape(-1),
                       gb16)

# --- scband reference (transcript-rebuilt; emitter-appended) ---
"""Pipeline reference for scband-bpr-mf-15290083574236 (READ-ONLY COPY).

The authoritative reference and input builder live on the scoring server;
editing this copy changes nothing except your own understanding.
"""

import jax, jax.numpy as jnp
import numpy as np

NUM_USERS = 100000
NUM_ITEMS = 1000000
EMBED_DIM = 64
BATCH = 16384


def _xavier_normal(key, shape):
    fan_in, fan_out = shape[0], shape[1]
    std = float(np.sqrt(2.0 / (fan_in + fan_out)))
    return jax.random.normal(key, shape, dtype=jnp.float32) * std


def setup_inputs(seed: int = 0) -> dict:
    key = jax.random.key(seed)
    k_users, k_items, k_ue, k_ie = jax.random.split(key, 4)
    users = jax.random.randint(k_users, (BATCH,), 0, NUM_USERS, dtype=jnp.int64)
    items = jax.random.randint(k_items, (BATCH,), 0, NUM_ITEMS, dtype=jnp.int64)
    user_emb_w = _xavier_normal(k_ue, (NUM_USERS, EMBED_DIM))
    item_emb_w = _xavier_normal(k_ie, (NUM_ITEMS, EMBED_DIM))
    user_bias_w = jnp.zeros((NUM_USERS, 1), dtype=jnp.float32)
    item_bias_w = jnp.zeros((NUM_ITEMS, 1), dtype=jnp.float32)
    global_bias = jnp.zeros((1,), dtype=jnp.float32)
    return {
        "users": users,
        "items": items,
        "user_emb_w": user_emb_w,
        "item_emb_w": item_emb_w,
        "user_bias_w": user_bias_w,
        "item_bias_w": item_bias_w,
        "global_bias": global_bias,
    }


def reference(users, items, user_emb_w, item_emb_w, user_bias_w, item_bias_w, global_bias):
    # user_emb = self.user_embedding(users)
    user_emb = jnp.take(user_emb_w, users, axis=0)            # [B, D]
    # user_b = self.user_bias(users).squeeze()
    user_b = jnp.take(user_bias_w, users, axis=0).squeeze(-1)  # [B]
    # items.dim() == 1 branch
    item_emb = jnp.take(item_emb_w, items, axis=0)            # [B, D]
    item_b = jnp.take(item_bias_w, items, axis=0).squeeze(-1)  # [B]
    scores = jnp.sum(user_emb * item_emb, axis=1) + user_b + item_b + global_bias
    return scores

if __name__ == "__main__":
    import jax
    _d = setup_inputs()
    print(jax.jit(kernel)(*tuple(_d.values())))

</pallas_src>

<mosaic_0001>
#map = affine_map<(d0, d1) -> (0)>
#map1 = affine_map<(d0, d1) -> (0, 0)>
module attributes {stable_mosaic.version = 14 : i64} {
  func.func @_sc_body(%arg0: i32, %arg1: i32, %arg2: memref<16384xi32, #tpu.memory_space<hbm>>, %arg3: memref<16384xi32, #tpu.memory_space<hbm>>, %arg4: memref<64x100000xf32, #tpu.memory_space<hbm>>, %arg5: memref<64x1000000xf32, #tpu.memory_space<hbm>>, %arg6: memref<100000xf32, #tpu.memory_space<hbm>>, %arg7: memref<1000000xf32, #tpu.memory_space<hbm>>, %arg8: memref<16xf32, #tpu.memory_space<hbm>>, %arg9: memref<16384xf32, #tpu.memory_space<hbm>>, %arg10: memref<4x128xi32, #tpu.memory_space<vmem>>, %arg11: memref<4x128xi32, #tpu.memory_space<vmem>>, %arg12: memref<64x512xf32, #tpu.memory_space<vmem>>, %arg13: memref<64x512xf32, #tpu.memory_space<vmem>>, %arg14: memref<512xf32, #tpu.memory_space<vmem>>, %arg15: memref<512xf32, #tpu.memory_space<vmem>>, %arg16: memref<16xf32, #tpu.memory_space<vmem>>, %arg17: memref<512xf32, #tpu.memory_space<vmem>>, %arg18: memref<!tpu.dma_semaphore, #tpu.memory_space<semaphore_mem>>, %arg19: memref<!tpu.dma_semaphore, #tpu.memory_space<semaphore_mem>>) attributes {dimension_semantics = [#tpu.dimension_semantics<core_parallel>, #tpu.dimension_semantics<subcore_parallel>], iteration_bounds = array<i64: 2, 16>, scalar_prefetch = 0 : i64, scratch_operands = 10 : i64, tpu.core_type = #tpu.core_type<sc_vector_subcore>, window_params = [{transform_indices = #map}, {transform_indices = #map}, {transform_indices = #map1}, {transform_indices = #map1}, {transform_indices = #map}, {transform_indices = #map}, {transform_indices = #map}, {transform_indices = #map}]} {
    %mul3A = arith.constant 2 : i32
    %mul3A_0 = arith.muli %arg1, %mul3A : i32
    %add3A = arith.addi %mul3A_0, %arg0 : i32
    %mul3A_1 = arith.constant 512 : i32
    %mul3A_2 = arith.muli %add3A, %mul3A_1 : i32
    %add3A_3 = arith.constant 0 : i32
    %add3A_4 = arith.addi %mul3A_2, %add3A_3 : i32
    %run_scoped3A = arith.constant 0 : i32
    "tpu.region"() ({
      %run_scoped3A_166 = tpu.sem_alloc : memref<!tpu.dma_semaphore, #tpu.memory_space<semaphore_mem>>
      %dma_start3A_167 = arith.constant 0 : i32
      %dma_start3A_168 = tpu.memref_slice %arg10[%run_scoped3A, %dma_start3A_167] : memref<4x128xi32, #tpu.memory_space<vmem>> -> memref<1x128xi32, #tpu.memory_space<vmem>>
      %dma_start3A_169 = tpu.memref_squeeze %dma_start3A_168 : memref<1x128xi32, #tpu.memory_space<vmem>> -> memref<128xi32, #tpu.memory_space<vmem>>
      %dma_start3A_170 = tpu.memref_slice %arg2[%add3A_4] : memref<16384xi32, #tpu.memory_space<hbm>> -> memref<128xi32, #tpu.memory_space<hbm>>
      %dma_start3A_171 = arith.constant 0 : i32
      %dma_start3A_172 = tpu.memref_slice %arg10[%run_scoped3A, %dma_start3A_171] : memref<4x128xi32, #tpu.memory_space<vmem>> -> memref<1x128xi32, #tpu.memory_space<vmem>>
      %dma_start3A_173 = tpu.memref_squeeze %dma_start3A_172 : memref<1x128xi32, #tpu.memory_space<vmem>> -> memref<128xi32, #tpu.memory_space<vmem>>
      %dma_start3A_174 = tpu.memref_slice %arg2[%add3A_4] : memref<16384xi32, #tpu.memory_space<hbm>> -> memref<128xi32, #tpu.memory_space<hbm>>
      tpu.enqueue_dma source(%dma_start3A_174 : memref<128xi32, #tpu.memory_space<hbm>>) target(%dma_start3A_173 : memref<128xi32, #tpu.memory_space<vmem>>) target_semaphore(%run_scoped3A_166 : memref<!tpu.dma_semaphore, #tpu.memory_space<semaphore_mem>>)
      %dma_wait3A_175 = arith.constant 0 : i32
      %dma_wait3A_176 = tpu.memref_slice %arg10[%run_scoped3A, %dma_wait3A_175] : memref<4x128xi32, #tpu.memory_space<vmem>> -> memref<1x128xi32, #tpu.memory_space<vmem>>
      %dma_wait3A_177 = tpu.memref_squeeze %dma_wait3A_176 : memref<1x128xi32, #tpu.memory_space<vmem>> -> memref<128xi32, #tpu.memory_space<vmem>>
      %dma_wait3A_178 = tpu.memref_slice %arg2[%add3A_4] : memref<16384xi32, #tpu.memory_space<hbm>> -> memref<128xi32, #tpu.memory_space<hbm>>
      %dma_wait3A_179 = arith.constant 0 : i32
      %dma_wait3A_180 = tpu.memref_slice %arg10[%run_scoped3A, %dma_wait3A_179] : memref<4x128xi32, #tpu.memory_space<vmem>> -> memref<1x128xi32, #tpu.memory_space<vmem>>
      %dma_wait3A_181 = tpu.memref_squeeze %dma_wait3A_180 : memref<1x128xi32, #tpu.memory_space<vmem>> -> memref<128xi32, #tpu.memory_space<vmem>>
      %dma_wait3A_182 = tpu.memref_slice %arg2[%add3A_4] : memref<16384xi32, #tpu.memory_space<hbm>> -> memref<128xi32, #tpu.memory_space<hbm>>
      tpu.wait_dma2 semaphore(%run_scoped3A_166 : memref<!tpu.dma_semaphore, #tpu.memory_space<semaphore_mem>>) src(%dma_wait3A_182 : memref<128xi32, #tpu.memory_space<hbm>>) dst(%dma_wait3A_181 : memref<128xi32, #tpu.memory_space<vmem>>)
      tpu.yield
    }) : () -> ()
    %add3A_5 = arith.constant 0 : i32
    %add3A_6 = arith.addi %mul3A_2, %add3A_5 : i32
    %run_scoped3A_7 = arith.constant 0 : i32
    "tpu.region"() ({
      %run_scoped3A_166 = tpu.sem_alloc : memref<!tpu.dma_semaphore, #tpu.memory_space<semaphore_mem>>
      %dma_start3A_167 = arith.constant 0 : i32
      %dma_start3A_168 = tpu.memref_slice %arg11[%run_scoped3A_7, %dma_start3A_167] : memref<4x128xi32, #tpu.memory_space<vmem>> -> memref<1x128xi32, #tpu.memory_space<vmem>>
      %dma_start3A_169 = tpu.memref_squeeze %dma_start3A_168 : memref<1x128xi32, #tpu.memory_space<vmem>> -> memref<128xi32, #tpu.memory_space<vmem>>
      %dma_start3A_170 = tpu.memref_slice %arg3[%add3A_6] : memref<16384xi32, #tpu.memory_space<hbm>> -> memref<128xi32, #tpu.memory_space<hbm>>
      %dma_start3A_171 = arith.constant 0 : i32
      %dma_start3A_172 = tpu.memref_slice %arg11[%run_scoped3A_7, %dma_start3A_171] : memref<4x128xi32, #tpu.memory_space<vmem>> -> memref<1x128xi32, #tpu.memory_space<vmem>>
      %dma_start3A_173 = tpu.memref_squeeze %dma_start3A_172 : memref<1x128xi32, #tpu.memory_space<vmem>> -> memref<128xi32, #tpu.memory_space<vmem>>
      %dma_start3A_174 = tpu.memref_slice %arg3[%add3A_6] : memref<16384xi32, #tpu.memory_space<hbm>> -> memref<128xi32, #tpu.memory_space<hbm>>
      tpu.enqueue_dma source(%dma_start3A_174 : memref<128xi32, #tpu.memory_space<hbm>>) target(%dma_start3A_173 : memref<128xi32, #tpu.memory_space<vmem>>) target_semaphore(%run_scoped3A_166 : memref<!tpu.dma_semaphore, #tpu.memory_space<semaphore_mem>>)
      %dma_wait3A_175 = arith.constant 0 : i32
      %dma_wait3A_176 = tpu.memref_slice %arg11[%run_scoped3A_7, %dma_wait3A_175] : memref<4x128xi32, #tpu.memory_space<vmem>> -> memref<1x128xi32, #tpu.memory_space<vmem>>
      %dma_wait3A_177 = tpu.memref_squeeze %dma_wait3A_176 : memref<1x128xi32, #tpu.memory_space<vmem>> -> memref<128xi32, #tpu.memory_space<vmem>>
      %dma_wait3A_178 = tpu.memref_slice %arg3[%add3A_6] : memref<16384xi32, #tpu.memory_space<hbm>> -> memref<128xi32, #tpu.memory_space<hbm>>
      %dma_wait3A_179 = arith.constant 0 : i32
      %dma_wait3A_180 = tpu.memref_slice %arg11[%run_scoped3A_7, %dma_wait3A_179] : memref<4x128xi32, #tpu.memory_space<vmem>> -> memref<1x128xi32, #tpu.memory_space<vmem>>
      %dma_wait3A_181 = tpu.memref_squeeze %dma_wait3A_180 : memref<1x128xi32, #tpu.memory_space<vmem>> -> memref<128xi32, #tpu.memory_space<vmem>>
      %dma_wait3A_182 = tpu.memref_slice %arg3[%add3A_6] : memref<16384xi32, #tpu.memory_space<hbm>> -> memref<128xi32, #tpu.memory_space<hbm>>
      tpu.wait_dma2 semaphore(%run_scoped3A_166 : memref<!tpu.dma_semaphore, #tpu.memory_space<semaphore_mem>>) src(%dma_wait3A_182 : memref<128xi32, #tpu.memory_space<hbm>>) dst(%dma_wait3A_181 : memref<128xi32, #tpu.memory_space<vmem>>)
      tpu.yield
    }) : () -> ()
    %add3A_8 = arith.constant 128 : i32
    %add3A_9 = arith.addi %mul3A_2, %add3A_8 : i32
    %run_scoped3A_10 = arith.constant 1 : i32
    "tpu.region"() ({
      %run_scoped3A_166 = tpu.sem_alloc : memref<!tpu.dma_semaphore, #tpu.memory_space<semaphore_mem>>
      %dma_start3A_167 = arith.constant 0 : i32
      %dma_start3A_168 = tpu.memref_slice %arg10[%run_scoped3A_10, %dma_start3A_167] : memref<4x128xi32, #tpu.memory_space<vmem>> -> memref<1x128xi32, #tpu.memory_space<vmem>>
      %dma_start3A_169 = tpu.memref_squeeze %dma_start3A_168 : memref<1x128xi32, #tpu.memory_space<vmem>> -> memref<128xi32, #tpu.memory_space<vmem>>
      %dma_start3A_170 = tpu.memref_slice %arg2[%add3A_9] : memref<16384xi32, #tpu.memory_space<hbm>> -> memref<128xi32, #tpu.memory_space<hbm>>
      %dma_start3A_171 = arith.constant 0 : i32
      %dma_start3A_172 = tpu.memref_slice %arg10[%run_scoped3A_10, %dma_start3A_171] : memref<4x128xi32, #tpu.memory_space<vmem>> -> memref<1x128xi32, #tpu.memory_space<vmem>>
      %dma_start3A_173 = tpu.memref_squeeze %dma_start3A_172 : memref<1x128xi32, #tpu.memory_space<vmem>> -> memref<128xi32, #tpu.memory_space<vmem>>
      %dma_start3A_174 = tpu.memref_slice %arg2[%add3A_9] : memref<16384xi32, #tpu.memory_space<hbm>> -> memref<128xi32, #tpu.memory_space<hbm>>
      tpu.enqueue_dma source(%dma_start3A_174 : memref<128xi32, #tpu.memory_space<hbm>>) target(%dma_start3A_173 : memref<128xi32, #tpu.memory_space<vmem>>) target_semaphore(%run_scoped3A_166 : memref<!tpu.dma_semaphore, #tpu.memory_space<semaphore_mem>>)
      %dma_wait3A_175 = arith.constant 0 : i32
      %dma_wait3A_176 = tpu.memref_slice %arg10[%run_scoped3A_10, %dma_wait3A_175] : memref<4x128xi32, #tpu.memory_space<vmem>> -> memref<1x128xi32, #tpu.memory_space<vmem>>
      %dma_wait3A_177 = tpu.memref_squeeze %dma_wait3A_176 : memref<1x128xi32, #tpu.memory_space<vmem>> -> memref<128xi32, #tpu.memory_space<vmem>>
      %dma_wait3A_178 = tpu.memref_slice %arg2[%add3A_9] : memref<16384xi32, #tpu.memory_space<hbm>> -> memref<128xi32, #tpu.memory_space<hbm>>
      %dma_wait3A_179 = arith.constant 0 : i32
      %dma_wait3A_180 = tpu.memref_slice %arg10[%run_scoped3A_10, %dma_wait3A_179] : memref<4x128xi32, #tpu.memory_space<vmem>> -> memref<1x128xi32, #tpu.memory_space<vmem>>
      %dma_wait3A_181 = tpu.memref_squeeze %dma_wait3A_180 : memref<1x128xi32, #tpu.memory_space<vmem>> -> memref<128xi32, #tpu.memory_space<vmem>>
      %dma_wait3A_182 = tpu.memref_slice %arg2[%add3A_9] : memref<16384xi32, #tpu.memory_space<hbm>> -> memref<128xi32, #tpu.memory_space<hbm>>
      tpu.wait_dma2 semaphore(%run_scoped3A_166 : memref<!tpu.dma_semaphore, #tpu.memory_space<semaphore_mem>>) src(%dma_wait3A_182 : memref<128xi32, #tpu.memory_space<hbm>>) dst(%dma_wait3A_181 : memref<128xi32, #tpu.memory_space<vmem>>)
      tpu.yield
    }) : () -> ()
    %add3A_11 = arith.constant 128 : i32
    %add3A_12 = arith.addi %mul3A_2, %add3A_11 : i32
    %run_scoped3A_13 = arith.constant 1 : i32
    "tpu.region"() ({
      %run_scoped3A_166 = tpu.sem_alloc : memref<!tpu.dma_semaphore, #tpu.memory_space<semaphore_mem>>
      %dma_start3A_167 = arith.constant 0 : i32
      %dma_start3A_168 = tpu.memref_slice %arg11[%run_scoped3A_13, %dma_start3A_167] : memref<4x128xi32, #tpu.memory_space<vmem>> -> memref<1x128xi32, #tpu.memory_space<vmem>>
      %dma_start3A_169 = tpu.memref_squeeze %dma_start3A_168 : memref<1x128xi32, #tpu.memory_space<vmem>> -> memref<128xi32, #tpu.memory_space<vmem>>
      %dma_start3A_170 = tpu.memref_slice %arg3[%add3A_12] : memref<16384xi32, #tpu.memory_space<hbm>> -> memref<128xi32, #tpu.memory_space<hbm>>
      %dma_start3A_171 = arith.constant 0 : i32
      %dma_start3A_172 = tpu.memref_slice %arg11[%run_scoped3A_13, %dma_start3A_171] : memref<4x128xi32, #tpu.memory_space<vmem>> -> memref<1x128xi32, #tpu.memory_space<vmem>>
      %dma_start3A_173 = tpu.memref_squeeze %dma_start3A_172 : memref<1x128xi32, #tpu.memory_space<vmem>> -> memref<128xi32, #tpu.memory_space<vmem>>
      %dma_start3A_174 = tpu.memref_slice %arg3[%add3A_12] : memref<16384xi32, #tpu.memory_space<hbm>> -> memref<128xi32, #tpu.memory_space<hbm>>
      tpu.enqueue_dma source(%dma_start3A_174 : memref<128xi32, #tpu.memory_space<hbm>>) target(%dma_start3A_173 : memref<128xi32, #tpu.memory_space<vmem>>) target_semaphore(%run_scoped3A_166 : memref<!tpu.dma_semaphore, #tpu.memory_space<semaphore_mem>>)
      %dma_wait3A_175 = arith.constant 0 : i32
      %dma_wait3A_176 = tpu.memref_slice %arg11[%run_scoped3A_13, %dma_wait3A_175] : memref<4x128xi32, #tpu.memory_space<vmem>> -> memref<1x128xi32, #tpu.memory_space<vmem>>
      %dma_wait3A_177 = tpu.memref_squeeze %dma_wait3A_176 : memref<1x128xi32, #tpu.memory_space<vmem>> -> memref<128xi32, #tpu.memory_space<vmem>>
      %dma_wait3A_178 = tpu.memref_slice %arg3[%add3A_12] : memref<16384xi32, #tpu.memory_space<hbm>> -> memref<128xi32, #tpu.memory_space<hbm>>
      %dma_wait3A_179 = arith.constant 0 : i32
      %dma_wait3A_180 = tpu.memref_slice %arg11[%run_scoped3A_13, %dma_wait3A_179] : memref<4x128xi32, #tpu.memory_space<vmem>> -> memref<1x128xi32, #tpu.memory_space<vmem>>
      %dma_wait3A_181 = tpu.memref_squeeze %dma_wait3A_180 : memref<1x128xi32, #tpu.memory_space<vmem>> -> memref<128xi32, #tpu.memory_space<vmem>>
      %dma_wait3A_182 = tpu.memref_slice %arg3[%add3A_12] : memref<16384xi32, #tpu.memory_space<hbm>> -> memref<128xi32, #tpu.memory_space<hbm>>
      tpu.wait_dma2 semaphore(%run_scoped3A_166 : memref<!tpu.dma_semaphore, #tpu.memory_space<semaphore_mem>>) src(%dma_wait3A_182 : memref<128xi32, #tpu.memory_space<hbm>>) dst(%dma_wait3A_181 : memref<128xi32, #tpu.memory_space<vmem>>)
      tpu.yield
    }) : () -> ()
    %add3A_14 = arith.constant 256 : i32
    %add3A_15 = arith.addi %mul3A_2, %add3A_14 : i32
    %run_scoped3A_16 = arith.constant 2 : i32
    "tpu.region"() ({
      %run_scoped3A_166 = tpu.sem_alloc : memref<!tpu.dma_semaphore, #tpu.memory_space<semaphore_mem>>
      %dma_start3A_167 = arith.constant 0 : i32
      %dma_start3A_168 = tpu.memref_slice %arg10[%run_scoped3A_16, %dma_start3A_167] : memref<4x128xi32, #tpu.memory_space<vmem>> -> memref<1x128xi32, #tpu.memory_space<vmem>>
      %dma_start3A_169 = tpu.memref_squeeze %dma_start3A_168 : memref<1x128xi32, #tpu.memory_space<vmem>> -> memref<128xi32, #tpu.memory_space<vmem>>
      %dma_start3A_170 = tpu.memref_slice %arg2[%add3A_15] : memref<16384xi32, #tpu.memory_space<hbm>> -> memref<128xi32, #tpu.memory_space<hbm>>
      %dma_start3A_171 = arith.constant 0 : i32
      %dma_start3A_172 = tpu.memref_slice %arg10[%run_scoped3A_16, %dma_start3A_171] : memref<4x128xi32, #tpu.memory_space<vmem>> -> memref<1x128xi32, #tpu.memory_space<vmem>>
      %dma_start3A_173 = tpu.memref_squeeze %dma_start3A_172 : memref<1x128xi32, #tpu.memory_space<vmem>> -> memref<128xi32, #tpu.memory_space<vmem>>
      %dma_start3A_174 = tpu.memref_slice %arg2[%add3A_15] : memref<16384xi32, #tpu.memory_space<hbm>> -> memref<128xi32, #tpu.memory_space<hbm>>
      tpu.enqueue_dma source(%dma_start3A_174 : memref<128xi32, #tpu.memory_space<hbm>>) target(%dma_start3A_173 : memref<128xi32, #tpu.memory_space<vmem>>) target_semaphore(%run_scoped3A_166 : memref<!tpu.dma_semaphore, #tpu.memory_space<semaphore_mem>>)
      %dma_wait3A_175 = arith.constant 0 : i32
      %dma_wait3A_176 = tpu.memref_slice %arg10[%run_scoped3A_16, %dma_wait3A_175] : memref<4x128xi32, #tpu.memory_space<vmem>> -> memref<1x128xi32, #tpu.memory_space<vmem>>
      %dma_wait3A_177 = tpu.memref_squeeze %dma_wait3A_176 : memref<1x128xi32, #tpu.memory_space<vmem>> -> memref<128xi32, #tpu.memory_space<vmem>>
      %dma_wait3A_178 = tpu.memref_slice %arg2[%add3A_15] : memref<16384xi32, #tpu.memory_space<hbm>> -> memref<128xi32, #tpu.memory_space<hbm>>
      %dma_wait3A_179 = arith.constant 0 : i32
      %dma_wait3A_180 = tpu.memref_slice %arg10[%run_scoped3A_16, %dma_wait3A_179] : memref<4x128xi32, #tpu.memory_space<vmem>> -> memref<1x128xi32, #tpu.memory_space<vmem>>
      %dma_wait3A_181 = tpu.memref_squeeze %dma_wait3A_180 : memref<1x128xi32, #tpu.memory_space<vmem>> -> memref<128xi32, #tpu.memory_space<vmem>>
      %dma_wait3A_182 = tpu.memref_slice %arg2[%add3A_15] : memref<16384xi32, #tpu.memory_space<hbm>> -> memref<128xi32, #tpu.memory_space<hbm>>
      tpu.wait_dma2 semaphore(%run_scoped3A_166 : memref<!tpu.dma_semaphore, #tpu.memory_space<semaphore_mem>>) src(%dma_wait3A_182 : memref<128xi32, #tpu.memory_space<hbm>>) dst(%dma_wait3A_181 : memref<128xi32, #tpu.memory_space<vmem>>)
      tpu.yield
    }) : () -> ()
    %add3A_17 = arith.constant 256 : i32
    %add3A_18 = arith.addi %mul3A_2, %add3A_17 : i32
    %run_scoped3A_19 = arith.constant 2 : i32
    "tpu.region"() ({
      %run_scoped3A_166 = tpu.sem_alloc : memref<!tpu.dma_semaphore, #tpu.memory_space<semaphore_mem>>
      %dma_start3A_167 = arith.constant 0 : i32
      %dma_start3A_168 = tpu.memref_slice %arg11[%run_scoped3A_19, %dma_start3A_167] : memref<4x128xi32, #tpu.memory_space<vmem>> -> memref<1x128xi32, #tpu.memory_space<vmem>>
      %dma_start3A_169 = tpu.memref_squeeze %dma_start3A_168 : memref<1x128xi32, #tpu.memory_space<vmem>> -> memref<128xi32, #tpu.memory_space<vmem>>
      %dma_start3A_170 = tpu.memref_slice %arg3[%add3A_18] : memref<16384xi32, #tpu.memory_space<hbm>> -> memref<128xi32, #tpu.memory_space<hbm>>
      %dma_start3A_171 = arith.constant 0 : i32
      %dma_start3A_172 = tpu.memref_slice %arg11[%run_scoped3A_19, %dma_start3A_171] : memref<4x128xi32, #tpu.memory_space<vmem>> -> memref<1x128xi32, #tpu.memory_space<vmem>>
      %dma_start3A_173 = tpu.memref_squeeze %dma_start3A_172 : memref<1x128xi32, #tpu.memory_space<vmem>> -> memref<128xi32, #tpu.memory_space<vmem>>
      %dma_start3A_174 = tpu.memref_slice %arg3[%add3A_18] : memref<16384xi32, #tpu.memory_space<hbm>> -> memref<128xi32, #tpu.memory_space<hbm>>
      tpu.enqueue_dma source(%dma_start3A_174 : memref<128xi32, #tpu.memory_space<hbm>>) target(%dma_start3A_173 : memref<128xi32, #tpu.memory_space<vmem>>) target_semaphore(%run_scoped3A_166 : memref<!tpu.dma_semaphore, #tpu.memory_space<semaphore_mem>>)
      %dma_wait3A_175 = arith.constant 0 : i32
      %dma_wait3A_176 = tpu.memref_slice %arg11[%run_scoped3A_19, %dma_wait3A_175] : memref<4x128xi32, #tpu.memory_space<vmem>> -> memref<1x128xi32, #tpu.memory_space<vmem>>
      %dma_wait3A_177 = tpu.memref_squeeze %dma_wait3A_176 : memref<1x128xi32, #tpu.memory_space<vmem>> -> memref<128xi32, #tpu.memory_space<vmem>>
      %dma_wait3A_178 = tpu.memref_slice %arg3[%add3A_18] : memref<16384xi32, #tpu.memory_space<hbm>> -> memref<128xi32, #tpu.memory_space<hbm>>
      %dma_wait3A_179 = arith.constant 0 : i32
      %dma_wait3A_180 = tpu.memref_slice %arg11[%run_scoped3A_19, %dma_wait3A_179] : memref<4x128xi32, #tpu.memory_space<vmem>> -> memref<1x128xi32, #tpu.memory_space<vmem>>
      %dma_wait3A_181 = tpu.memref_squeeze %dma_wait3A_180 : memref<1x128xi32, #tpu.memory_space<vmem>> -> memref<128xi32, #tpu.memory_space<vmem>>
      %dma_wait3A_182 = tpu.memref_slice %arg3[%add3A_18] : memref<16384xi32, #tpu.memory_space<hbm>> -> memref<128xi32, #tpu.memory_space<hbm>>
      tpu.wait_dma2 semaphore(%run_scoped3A_166 : memref<!tpu.dma_semaphore, #tpu.memory_space<semaphore_mem>>) src(%dma_wait3A_182 : memref<128xi32, #tpu.memory_space<hbm>>) dst(%dma_wait3A_181 : memref<128xi32, #tpu.memory_space<vmem>>)
      tpu.yield
    }) : () -> ()
    %add3A_20 = arith.constant 384 : i32
    %add3A_21 = arith.addi %mul3A_2, %add3A_20 : i32
    %run_scoped3A_22 = arith.constant 3 : i32
    "tpu.region"() ({
      %run_scoped3A_166 = tpu.sem_alloc : memref<!tpu.dma_semaphore, #tpu.memory_space<semaphore_mem>>
      %dma_start3A_167 = arith.constant 0 : i32
      %dma_start3A_168 = tpu.memref_slice %arg10[%run_scoped3A_22, %dma_start3A_167] : memref<4x128xi32, #tpu.memory_space<vmem>> -> memref<1x128xi32, #tpu.memory_space<vmem>>
      %dma_start3A_169 = tpu.memref_squeeze %dma_start3A_168 : memref<1x128xi32, #tpu.memory_space<vmem>> -> memref<128xi32, #tpu.memory_space<vmem>>
      %dma_start3A_170 = tpu.memref_slice %arg2[%add3A_21] : memref<16384xi32, #tpu.memory_space<hbm>> -> memref<128xi32, #tpu.memory_space<hbm>>
      %dma_start3A_171 = arith.constant 0 : i32
      %dma_start3A_172 = tpu.memref_slice %arg10[%run_scoped3A_22, %dma_start3A_171] : memref<4x128xi32, #tpu.memory_space<vmem>> -> memref<1x128xi32, #tpu.memory_space<vmem>>
      %dma_start3A_173 = tpu.memref_squeeze %dma_start3A_172 : memref<1x128xi32, #tpu.memory_space<vmem>> -> memref<128xi32, #tpu.memory_space<vmem>>
      %dma_start3A_174 = tpu.memref_slice %arg2[%add3A_21] : memref<16384xi32, #tpu.memory_space<hbm>> -> memref<128xi32, #tpu.memory_space<hbm>>
      tpu.enqueue_dma source(%dma_start3A_174 : memref<128xi32, #tpu.memory_space<hbm>>) target(%dma_start3A_173 : memref<128xi32, #tpu.memory_space<vmem>>) target_semaphore(%run_scoped3A_166 : memref<!tpu.dma_semaphore, #tpu.memory_space<semaphore_mem>>)
      %dma_wait3A_175 = arith.constant 0 : i32
      %dma_wait3A_176 = tpu.memref_slice %arg10[%run_scoped3A_22, %dma_wait3A_175] : memref<4x128xi32, #tpu.memory_space<vmem>> -> memref<1x128xi32, #tpu.memory_space<vmem>>
      %dma_wait3A_177 = tpu.memref_squeeze %dma_wait3A_176 : memref<1x128xi32, #tpu.memory_space<vmem>> -> memref<128xi32, #tpu.memory_space<vmem>>
      %dma_wait3A_178 = tpu.memref_slice %arg2[%add3A_21] : memref<16384xi32, #tpu.memory_space<hbm>> -> memref<128xi32, #tpu.memory_space<hbm>>
      %dma_wait3A_179 = arith.constant 0 : i32
      %dma_wait3A_180 = tpu.memref_slice %arg10[%run_scoped3A_22, %dma_wait3A_179] : memref<4x128xi32, #tpu.memory_space<vmem>> -> memref<1x128xi32, #tpu.memory_space<vmem>>
      %dma_wait3A_181 = tpu.memref_squeeze %dma_wait3A_180 : memref<1x128xi32, #tpu.memory_space<vmem>> -> memref<128xi32, #tpu.memory_space<vmem>>
      %dma_wait3A_182 = tpu.memref_slice %arg2[%add3A_21] : memref<16384xi32, #tpu.memory_space<hbm>> -> memref<128xi32, #tpu.memory_space<hbm>>
      tpu.wait_dma2 semaphore(%run_scoped3A_166 : memref<!tpu.dma_semaphore, #tpu.memory_space<semaphore_mem>>) src(%dma_wait3A_182 : memref<128xi32, #tpu.memory_space<hbm>>) dst(%dma_wait3A_181 : memref<128xi32, #tpu.memory_space<vmem>>)
      tpu.yield
    }) : () -> ()
    %add3A_23 = arith.constant 384 : i32
    %add3A_24 = arith.addi %mul3A_2, %add3A_23 : i32
    %run_scoped3A_25 = arith.constant 3 : i32
    "tpu.region"() ({
      %run_scoped3A_166 = tpu.sem_alloc : memref<!tpu.dma_semaphore, #tpu.memory_space<semaphore_mem>>
      %dma_start3A_167 = arith.constant 0 : i32
      %dma_start3A_168 = tpu.memref_slice %arg11[%run_scoped3A_25, %dma_start3A_167] : memref<4x128xi32, #tpu.memory_space<vmem>> -> memref<1x128xi32, #tpu.memory_space<vmem>>
      %dma_start3A_169 = tpu.memref_squeeze %dma_start3A_168 : memref<1x128xi32, #tpu.memory_space<vmem>> -> memref<128xi32, #tpu.memory_space<vmem>>
      %dma_start3A_170 = tpu.memref_slice %arg3[%add3A_24] : memref<16384xi32, #tpu.memory_space<hbm>> -> memref<128xi32, #tpu.memory_space<hbm>>
      %dma_start3A_171 = arith.constant 0 : i32
      %dma_start3A_172 = tpu.memref_slice %arg11[%run_scoped3A_25, %dma_start3A_171] : memref<4x128xi32, #tpu.memory_space<vmem>> -> memref<1x128xi32, #tpu.memory_space<vmem>>
      %dma_start3A_173 = tpu.memref_squeeze %dma_start3A_172 : memref<1x128xi32, #tpu.memory_space<vmem>> -> memref<128xi32, #tpu.memory_space<vmem>>
      %dma_start3A_174 = tpu.memref_slice %arg3[%add3A_24] : memref<16384xi32, #tpu.memory_space<hbm>> -> memref<128xi32, #tpu.memory_space<hbm>>
      tpu.enqueue_dma source(%dma_start3A_174 : memref<128xi32, #tpu.memory_space<hbm>>) target(%dma_start3A_173 : memref<128xi32, #tpu.memory_space<vmem>>) target_semaphore(%run_scoped3A_166 : memref<!tpu.dma_semaphore, #tpu.memory_space<semaphore_mem>>)
      %dma_wait3A_175 = arith.constant 0 : i32
      %dma_wait3A_176 = tpu.memref_slice %arg11[%run_scoped3A_25, %dma_wait3A_175] : memref<4x128xi32, #tpu.memory_space<vmem>> -> memref<1x128xi32, #tpu.memory_space<vmem>>
      %dma_wait3A_177 = tpu.memref_squeeze %dma_wait3A_176 : memref<1x128xi32, #tpu.memory_space<vmem>> -> memref<128xi32, #tpu.memory_space<vmem>>
      %dma_wait3A_178 = tpu.memref_slice %arg3[%add3A_24] : memref<16384xi32, #tpu.memory_space<hbm>> -> memref<128xi32, #tpu.memory_space<hbm>>
      %dma_wait3A_179 = arith.constant 0 : i32
      %dma_wait3A_180 = tpu.memref_slice %arg11[%run_scoped3A_25, %dma_wait3A_179] : memref<4x128xi32, #tpu.memory_space<vmem>> -> memref<1x128xi32, #tpu.memory_space<vmem>>
      %dma_wait3A_181 = tpu.memref_squeeze %dma_wait3A_180 : memref<1x128xi32, #tpu.memory_space<vmem>> -> memref<128xi32, #tpu.memory_space<vmem>>
      %dma_wait3A_182 = tpu.memref_slice %arg3[%add3A_24] : memref<16384xi32, #tpu.memory_space<hbm>> -> memref<128xi32, #tpu.memory_space<hbm>>
      tpu.wait_dma2 semaphore(%run_scoped3A_166 : memref<!tpu.dma_semaphore, #tpu.memory_space<semaphore_mem>>) src(%dma_wait3A_182 : memref<128xi32, #tpu.memory_space<hbm>>) dst(%dma_wait3A_181 : memref<128xi32, #tpu.memory_space<vmem>>)
      tpu.yield
    }) : () -> ()
    "tpu.region"() ({
      %run_scoped3A_166 = tpu.sem_alloc : memref<!tpu.dma_semaphore, #tpu.memory_space<semaphore_mem>>
      tpu.enqueue_dma source(%arg8 : memref<16xf32, #tpu.memory_space<hbm>>) target(%arg16 : memref<16xf32, #tpu.memory_space<vmem>>) target_semaphore(%run_scoped3A_166 : memref<!tpu.dma_semaphore, #tpu.memory_space<semaphore_mem>>)
      tpu.wait_dma2 semaphore(%run_scoped3A_166 : memref<!tpu.dma_semaphore, #tpu.memory_space<semaphore_mem>>) src(%arg8 : memref<16xf32, #tpu.memory_space<hbm>>) dst(%arg16 : memref<16xf32, #tpu.memory_space<vmem>>)
      tpu.yield
    }) : () -> ()
    %dma_start3A = arith.constant 0 : i32
    %dma_start3A_26 = arith.constant 0 : i32
    %dma_start3A_27 = tpu.memref_slice %arg14[%dma_start3A_26] : memref<512xf32, #tpu.memory_space<vmem>> -> memref<128xf32, #tpu.memory_space<vmem>>
    %dma_start3A_28 = arith.constant 0 : i32
    %dma_start3A_29 = tpu.memref_slice %arg10[%dma_start3A, %dma_start3A_28] : memref<4x128xi32, #tpu.memory_space<vmem>> -> memref<1x128xi32, #tpu.memory_space<vmem>>
    %dma_start3A_30 = tpu.memref_squeeze %dma_start3A_29 : memref<1x128xi32, #tpu.memory_space<vmem>> -> memref<128xi32, #tpu.memory_space<vmem>>
    %dma_start3A_31 = arith.constant 0 : i32
    %dma_start3A_32 = tpu.memref_slice %arg6[%dma_start3A_31] : memref<100000xf32, #tpu.memory_space<hbm>> -> memref<100000xf32, #tpu.memory_space<hbm>>
    tpu.enqueue_indirect_dma source(%dma_start3A_32 : memref<100000xf32, #tpu.memory_space<hbm>>) target(%dma_start3A_27 : memref<128xf32, #tpu.memory_space<vmem>>) offsets(%dma_start3A_30 : memref<128xi32, #tpu.memory_space<vmem>>) semaphore(%arg19 : memref<!tpu.dma_semaphore, #tpu.memory_space<semaphore_mem>>)
    %dma_start3A_33 = arith.constant 0 : i32
    %dma_start3A_34 = arith.constant 0 : i32
    %dma_start3A_35 = tpu.memref_slice %arg15[%dma_start3A_34] : memref<512xf32, #tpu.memory_space<vmem>> -> memref<128xf32, #tpu.memory_space<vmem>>
    %dma_start3A_36 = arith.constant 0 : i32
    %dma_start3A_37 = tpu.memref_slice %arg11[%dma_start3A_33, %dma_start3A_36] : memref<4x128xi32, #tpu.memory_space<vmem>> -> memref<1x128xi32, #tpu.memory_space<vmem>>
    %dma_start3A_38 = tpu.memref_squeeze %dma_start3A_37 : memref<1x128xi32, #tpu.memory_space<vmem>> -> memref<128xi32, #tpu.memory_space<vmem>>
    %dma_start3A_39 = arith.constant 0 : i32
    %dma_start3A_40 = tpu.memref_slice %arg7[%dma_start3A_39] : memref<1000000xf32, #tpu.memory_space<hbm>> -> memref<1000000xf32, #tpu.memory_space<hbm>>
    tpu.enqueue_indirect_dma source(%dma_start3A_40 : memref<1000000xf32, #tpu.memory_space<hbm>>) target(%dma_start3A_35 : memref<128xf32, #tpu.memory_space<vmem>>) offsets(%dma_start3A_38 : memref<128xi32, #tpu.memory_space<vmem>>) semaphore(%arg19 : memref<!tpu.dma_semaphore, #tpu.memory_space<semaphore_mem>>)
    %dma_start3A_41 = arith.constant 1 : i32
    %dma_start3A_42 = arith.constant 128 : i32
    %dma_start3A_43 = tpu.memref_slice %arg14[%dma_start3A_42] : memref<512xf32, #tpu.memory_space<vmem>> -> memref<128xf32, #tpu.memory_space<vmem>>
    %dma_start3A_44 = arith.constant 0 : i32
    %dma_start3A_45 = tpu.memref_slice %arg10[%dma_start3A_41, %dma_start3A_44] : memref<4x128xi32, #tpu.memory_space<vmem>> -> memref<1x128xi32, #tpu.memory_space<vmem>>
    %dma_start3A_46 = tpu.memref_squeeze %dma_start3A_45 : memref<1x128xi32, #tpu.memory_space<vmem>> -> memref<128xi32, #tpu.memory_space<vmem>>
    %dma_start3A_47 = arith.constant 0 : i32
    %dma_start3A_48 = tpu.memref_slice %arg6[%dma_start3A_47] : memref<100000xf32, #tpu.memory_space<hbm>> -> memref<100000xf32, #tpu.memory_space<hbm>>
    tpu.enqueue_indirect_dma source(%dma_start3A_48 : memref<100000xf32, #tpu.memory_space<hbm>>) target(%dma_start3A_43 : memref<128xf32, #tpu.memory_space<vmem>>) offsets(%dma_start3A_46 : memref<128xi32, #tpu.memory_space<vmem>>) semaphore(%arg19 : memref<!tpu.dma_semaphore, #tpu.memory_space<semaphore_mem>>)
    %dma_start3A_49 = arith.constant 1 : i32
    %dma_start3A_50 = arith.constant 128 : i32
    %dma_start3A_51 = tpu.memref_slice %arg15[%dma_start3A_50] : memref<512xf32, #tpu.memory_space<vmem>> -> memref<128xf32, #tpu.memory_space<vmem>>
    %dma_start3A_52 = arith.constant 0 : i32
    %dma_start3A_53 = tpu.memref_slice %arg11[%dma_start3A_49, %dma_start3A_52] : memref<4x128xi32, #tpu.memory_space<vmem>> -> memref<1x128xi32, #tpu.memory_space<vmem>>
    %dma_start3A_54 = tpu.memref_squeeze %dma_start3A_53 : memref<1x128xi32, #tpu.memory_space<vmem>> -> memref<128xi32, #tpu.memory_space<vmem>>
    %dma_start3A_55 = arith.constant 0 : i32
    %dma_start3A_56 = tpu.memref_slice %arg7[%dma_start3A_55] : memref<1000000xf32, #tpu.memory_space<hbm>> -> memref<1000000xf32, #tpu.memory_space<hbm>>
    tpu.enqueue_indirect_dma source(%dma_start3A_56 : memref<1000000xf32, #tpu.memory_space<hbm>>) target(%dma_start3A_51 : memref<128xf32, #tpu.memory_space<vmem>>) offsets(%dma_start3A_54 : memref<128xi32, #tpu.memory_space<vmem>>) semaphore(%arg19 : memref<!tpu.dma_semaphore, #tpu.memory_space<semaphore_mem>>)
    %dma_start3A_57 = arith.constant 2 : i32
    %dma_start3A_58 = arith.constant 256 : i32
    %dma_start3A_59 = tpu.memref_slice %arg14[%dma_start3A_58] : memref<512xf32, #tpu.memory_space<vmem>> -> memref<128xf32, #tpu.memory_space<vmem>>
    %dma_start3A_60 = arith.constant 0 : i32
    %dma_start3A_61 = tpu.memref_slice %arg10[%dma_start3A_57, %dma_start3A_60] : memref<4x128xi32, #tpu.memory_space<vmem>> -> memref<1x128xi32, #tpu.memory_space<vmem>>
    %dma_start3A_62 = tpu.memref_squeeze %dma_start3A_61 : memref<1x128xi32, #tpu.memory_space<vmem>> -> memref<128xi32, #tpu.memory_space<vmem>>
    %dma_start3A_63 = arith.constant 0 : i32
    %dma_start3A_64 = tpu.memref_slice %arg6[%dma_start3A_63] : memref<100000xf32, #tpu.memory_space<hbm>> -> memref<100000xf32, #tpu.memory_space<hbm>>
    tpu.enqueue_indirect_dma source(%dma_start3A_64 : memref<100000xf32, #tpu.memory_space<hbm>>) target(%dma_start3A_59 : memref<128xf32, #tpu.memory_space<vmem>>) offsets(%dma_start3A_62 : memref<128xi32, #tpu.memory_space<vmem>>) semaphore(%arg19 : memref<!tpu.dma_semaphore, #tpu.memory_space<semaphore_mem>>)
    %dma_start3A_65 = arith.constant 2 : i32
    %dma_start3A_66 = arith.constant 256 : i32
    %dma_start3A_67 = tpu.memref_slice %arg15[%dma_start3A_66] : memref<512xf32, #tpu.memory_space<vmem>> -> memref<128xf32, #tpu.memory_space<vmem>>
    %dma_start3A_68 = arith.constant 0 : i32
    %dma_start3A_69 = tpu.memref_slice %arg11[%dma_start3A_65, %dma_start3A_68] : memref<4x128xi32, #tpu.memory_space<vmem>> -> memref<1x128xi32, #tpu.memory_space<vmem>>
    %dma_start3A_70 = tpu.memref_squeeze %dma_start3A_69 : memref<1x128xi32, #tpu.memory_space<vmem>> -> memref<128xi32, #tpu.memory_space<vmem>>
    %dma_start3A_71 = arith.constant 0 : i32
    %dma_start3A_72 = tpu.memref_slice %arg7[%dma_start3A_71] : memref<1000000xf32, #tpu.memory_space<hbm>> -> memref<1000000xf32, #tpu.memory_space<hbm>>
    tpu.enqueue_indirect_dma source(%dma_start3A_72 : memref<1000000xf32, #tpu.memory_space<hbm>>) target(%dma_start3A_67 : memref<128xf32, #tpu.memory_space<vmem>>) offsets(%dma_start3A_70 : memref<128xi32, #tpu.memory_space<vmem>>) semaphore(%arg19 : memref<!tpu.dma_semaphore, #tpu.memory_space<semaphore_mem>>)
    %dma_start3A_73 = arith.constant 3 : i32
    %dma_start3A_74 = arith.constant 384 : i32
    %dma_start3A_75 = tpu.memref_slice %arg14[%dma_start3A_74] : memref<512xf32, #tpu.memory_space<vmem>> -> memref<128xf32, #tpu.memory_space<vmem>>
    %dma_start3A_76 = arith.constant 0 : i32
    %dma_start3A_77 = tpu.memref_slice %arg10[%dma_start3A_73, %dma_start3A_76] : memref<4x128xi32, #tpu.memory_space<vmem>> -> memref<1x128xi32, #tpu.memory_space<vmem>>
    %dma_start3A_78 = tpu.memref_squeeze %dma_start3A_77 : memref<1x128xi32, #tpu.memory_space<vmem>> -> memref<128xi32, #tpu.memory_space<vmem>>
    %dma_start3A_79 = arith.constant 0 : i32
    %dma_start3A_80 = tpu.memref_slice %arg6[%dma_start3A_79] : memref<100000xf32, #tpu.memory_space<hbm>> -> memref<100000xf32, #tpu.memory_space<hbm>>
    tpu.enqueue_indirect_dma source(%dma_start3A_80 : memref<100000xf32, #tpu.memory_space<hbm>>) target(%dma_start3A_75 : memref<128xf32, #tpu.memory_space<vmem>>) offsets(%dma_start3A_78 : memref<128xi32, #tpu.memory_space<vmem>>) semaphore(%arg19 : memref<!tpu.dma_semaphore, #tpu.memory_space<semaphore_mem>>)
    %dma_start3A_81 = arith.constant 3 : i32
    %dma_start3A_82 = arith.constant 384 : i32
    %dma_start3A_83 = tpu.memref_slice %arg15[%dma_start3A_82] : memref<512xf32, #tpu.memory_space<vmem>> -> memref<128xf32, #tpu.memory_space<vmem>>
    %dma_start3A_84 = arith.constant 0 : i32
    %dma_start3A_85 = tpu.memref_slice %arg11[%dma_start3A_81, %dma_start3A_84] : memref<4x128xi32, #tpu.memory_space<vmem>> -> memref<1x128xi32, #tpu.memory_space<vmem>>
    %dma_start3A_86 = tpu.memref_squeeze %dma_start3A_85 : memref<1x128xi32, #tpu.memory_space<vmem>> -> memref<128xi32, #tpu.memory_space<vmem>>
    %dma_start3A_87 = arith.constant 0 : i32
    %dma_start3A_88 = tpu.memref_slice %arg7[%dma_start3A_87] : memref<1000000xf32, #tpu.memory_space<hbm>> -> memref<1000000xf32, #tpu.memory_space<hbm>>
    tpu.enqueue_indirect_dma source(%dma_start3A_88 : memref<1000000xf32, #tpu.memory_space<hbm>>) target(%dma_start3A_83 : memref<128xf32, #tpu.memory_space<vmem>>) offsets(%dma_start3A_86 : memref<128xi32, #tpu.memory_space<vmem>>) semaphore(%arg19 : memref<!tpu.dma_semaphore, #tpu.memory_space<semaphore_mem>>)
    %scan3A = arith.constant 0 : i32
    %scan3A_89 = arith.constant 0 : i32
    %scan3A_90 = arith.constant 64 : i32
    %scan3A_91 = arith.addi %scan3A_89, %scan3A_90 : i32
    %scan3A_92 = arith.constant 1 : i32
    %scan3A_93 = scf.for %scan3A_166 = %scan3A_89 to %scan3A_91 step %scan3A_92 iter_args(%scan3A_167 = %scan3A) -> (i32)  : i32 {
      %dma_start3A_168 = arith.constant 0 : i32
      %dma_start3A_169 = arith.constant 0 : i32
      %dma_start3A_170 = tpu.memref_slice %arg12[%scan3A_166, %dma_start3A_169] : memref<64x512xf32, #tpu.memory_space<vmem>> -> memref<1x128xf32, #tpu.memory_space<vmem>>
      %dma_start3A_171 = tpu.memref_squeeze %dma_start3A_170 : memref<1x128xf32, #tpu.memory_space<vmem>> -> memref<128xf32, #tpu.memory_space<vmem>>
      %dma_start3A_172 = arith.constant 0 : i32
      %dma_start3A_173 = tpu.memref_slice %arg10[%dma_start3A_168, %dma_start3A_172] : memref<4x128xi32, #tpu.memory_space<vmem>> -> memref<1x128xi32, #tpu.memory_space<vmem>>
      %dma_start3A_174 = tpu.memref_squeeze %dma_start3A_173 : memref<1x128xi32, #tpu.memory_space<vmem>> -> memref<128xi32, #tpu.memory_space<vmem>>
      %dma_start3A_175 = arith.constant 0 : i32
      %dma_start3A_176 = tpu.memref_slice %arg4[%scan3A_166, %dma_start3A_175] : memref<64x100000xf32, #tpu.memory_space<hbm>> -> memref<1x100000xf32, #tpu.memory_space<hbm>>
      %dma_start3A_177 = tpu.memref_squeeze %dma_start3A_176 : memref<1x100000xf32, #tpu.memory_space<hbm>> -> memref<100000xf32, #tpu.memory_space<hbm>>
      %dma_start3A_178 = arith.constant 0 : i32
      %dma_start3A_179 = tpu.memref_slice %dma_start3A_177[%dma_start3A_178] : memref<100000xf32, #tpu.memory_space<hbm>> -> memref<100000xf32, #tpu.memory_space<hbm>>
      tpu.enqueue_indirect_dma source(%dma_start3A_179 : memref<100000xf32, #tpu.memory_space<hbm>>) target(%dma_start3A_171 : memref<128xf32, #tpu.memory_space<vmem>>) offsets(%dma_start3A_174 : memref<128xi32, #tpu.memory_space<vmem>>) semaphore(%arg18 : memref<!tpu.dma_semaphore, #tpu.memory_space<semaphore_mem>>)
      %dma_start3A_180 = arith.constant 0 : i32
      %dma_start3A_181 = arith.constant 0 : i32
      %dma_start3A_182 = tpu.memref_slice %arg13[%scan3A_166, %dma_start3A_181] : memref<64x512xf32, #tpu.memory_space<vmem>> -> memref<1x128xf32, #tpu.memory_space<vmem>>
      %dma_start3A_183 = tpu.memref_squeeze %dma_start3A_182 : memref<1x128xf32, #tpu.memory_space<vmem>> -> memref<128xf32, #tpu.memory_space<vmem>>
      %dma_start3A_184 = arith.constant 0 : i32
      %dma_start3A_185 = tpu.memref_slice %arg11[%dma_start3A_180, %dma_start3A_184] : memref<4x128xi32, #tpu.memory_space<vmem>> -> memref<1x128xi32, #tpu.memory_space<vmem>>
      %dma_start3A_186 = tpu.memref_squeeze %dma_start3A_185 : memref<1x128xi32, #tpu.memory_space<vmem>> -> memref<128xi32, #tpu.memory_space<vmem>>
      %dma_start3A_187 = arith.constant 0 : i32
      %dma_start3A_188 = tpu.memref_slice %arg5[%scan3A_166, %dma_start3A_187] : memref<64x1000000xf32, #tpu.memory_space<hbm>> -> memref<1x1000000xf32, #tpu.memory_space<hbm>>
      %dma_start3A_189 = tpu.memref_squeeze %dma_start3A_188 : memref<1x1000000xf32, #tpu.memory_space<hbm>> -> memref<1000000xf32, #tpu.memory_space<hbm>>
      %dma_start3A_190 = arith.constant 0 : i32
      %dma_start3A_191 = tpu.memref_slice %dma_start3A_189[%dma_start3A_190] : memref<1000000xf32, #tpu.memory_space<hbm>> -> memref<1000000xf32, #tpu.memory_space<hbm>>
      tpu.enqueue_indirect_dma source(%dma_start3A_191 : memref<1000000xf32, #tpu.memory_space<hbm>>) target(%dma_start3A_183 : memref<128xf32, #tpu.memory_space<vmem>>) offsets(%dma_start3A_186 : memref<128xi32, #tpu.memory_space<vmem>>) semaphore(%arg18 : memref<!tpu.dma_semaphore, #tpu.memory_space<semaphore_mem>>)
      %dma_start3A_192 = arith.constant 1 : i32
      %dma_start3A_193 = arith.constant 128 : i32
      %dma_start3A_194 = tpu.memref_slice %arg12[%scan3A_166, %dma_start3A_193] : memref<64x512xf32, #tpu.memory_space<vmem>> -> memref<1x128xf32, #tpu.memory_space<vmem>>
      %dma_start3A_195 = tpu.memref_squeeze %dma_start3A_194 : memref<1x128xf32, #tpu.memory_space<vmem>> -> memref<128xf32, #tpu.memory_space<vmem>>
      %dma_start3A_196 = arith.constant 0 : i32
      %dma_start3A_197 = tpu.memref_slice %arg10[%dma_start3A_192, %dma_start3A_196] : memref<4x128xi32, #tpu.memory_space<vmem>> -> memref<1x128xi32, #tpu.memory_space<vmem>>
      %dma_start3A_198 = tpu.memref_squeeze %dma_start3A_197 : memref<1x128xi32, #tpu.memory_space<vmem>> -> memref<128xi32, #tpu.memory_space<vmem>>
      %dma_start3A_199 = arith.constant 0 : i32
      %dma_start3A_200 = tpu.memref_slice %arg4[%scan3A_166, %dma_start3A_199] : memref<64x100000xf32, #tpu.memory_space<hbm>> -> memref<1x100000xf32, #tpu.memory_space<hbm>>
      %dma_start3A_201 = tpu.memref_squeeze %dma_start3A_200 : memref<1x100000xf32, #tpu.memory_space<hbm>> -> memref<100000xf32, #tpu.memory_space<hbm>>
      %dma_start3A_202 = arith.constant 0 : i32
      %dma_start3A_203 = tpu.memref_slice %dma_start3A_201[%dma_start3A_202] : memref<100000xf32, #tpu.memory_space<hbm>> -> memref<100000xf32, #tpu.memory_space<hbm>>
      tpu.enqueue_indirect_dma source(%dma_start3A_203 : memref<100000xf32, #tpu.memory_space<hbm>>) target(%dma_start3A_195 : memref<128xf32, #tpu.memory_space<vmem>>) offsets(%dma_start3A_198 : memref<128xi32, #tpu.memory_space<vmem>>) semaphore(%arg18 : memref<!tpu.dma_semaphore, #tpu.memory_space<semaphore_mem>>)
      %dma_start3A_204 = arith.constant 1 : i32
      %dma_start3A_205 = arith.constant 128 : i32
      %dma_start3A_206 = tpu.memref_slice %arg13[%scan3A_166, %dma_start3A_205] : memref<64x512xf32, #tpu.memory_space<vmem>> -> memref<1x128xf32, #tpu.memory_space<vmem>>
      %dma_start3A_207 = tpu.memref_squeeze %dma_start3A_206 : memref<1x128xf32, #tpu.memory_space<vmem>> -> memref<128xf32, #tpu.memory_space<vmem>>
      %dma_start3A_208 = arith.constant 0 : i32
      %dma_start3A_209 = tpu.memref_slice %arg11[%dma_start3A_204, %dma_start3A_208] : memref<4x128xi32, #tpu.memory_space<vmem>> -> memref<1x128xi32, #tpu.memory_space<vmem>>
      %dma_start3A_210 = tpu.memref_squeeze %dma_start3A_209 : memref<1x128xi32, #tpu.memory_space<vmem>> -> memref<128xi32, #tpu.memory_space<vmem>>
      %dma_start3A_211 = arith.constant 0 : i32
      %dma_start3A_212 = tpu.memref_slice %arg5[%scan3A_166, %dma_start3A_211] : memref<64x1000000xf32, #tpu.memory_space<hbm>> -> memref<1x1000000xf32, #tpu.memory_space<hbm>>
      %dma_start3A_213 = tpu.memref_squeeze %dma_start3A_212 : memref<1x1000000xf32, #tpu.memory_space<hbm>> -> memref<1000000xf32, #tpu.memory_space<hbm>>
      %dma_start3A_214 = arith.constant 0 : i32
      %dma_start3A_215 = tpu.memref_slice %dma_start3A_213[%dma_start3A_214] : memref<1000000xf32, #tpu.memory_space<hbm>> -> memref<1000000xf32, #tpu.memory_space<hbm>>
      tpu.enqueue_indirect_dma source(%dma_start3A_215 : memref<1000000xf32, #tpu.memory_space<hbm>>) target(%dma_start3A_207 : memref<128xf32, #tpu.memory_space<vmem>>) offsets(%dma_start3A_210 : memref<128xi32, #tpu.memory_space<vmem>>) semaphore(%arg18 : memref<!tpu.dma_semaphore, #tpu.memory_space<semaphore_mem>>)
      %dma_start3A_216 = arith.constant 2 : i32
      %dma_start3A_217 = arith.constant 256 : i32
      %dma_start3A_218 = tpu.memref_slice %arg12[%scan3A_166, %dma_start3A_217] : memref<64x512xf32, #tpu.memory_space<vmem>> -> memref<1x128xf32, #tpu.memory_space<vmem>>
      %dma_start3A_219 = tpu.memref_squeeze %dma_start3A_218 : memref<1x128xf32, #tpu.memory_space<vmem>> -> memref<128xf32, #tpu.memory_space<vmem>>
      %dma_start3A_220 = arith.constant 0 : i32
      %dma_start3A_221 = tpu.memref_slice %arg10[%dma_start3A_216, %dma_start3A_220] : memref<4x128xi32, #tpu.memory_space<vmem>> -> memref<1x128xi32, #tpu.memory_space<vmem>>
      %dma_start3A_222 = tpu.memref_squeeze %dma_start3A_221 : memref<1x128xi32, #tpu.memory_space<vmem>> -> memref<128xi32, #tpu.memory_space<vmem>>
      %dma_start3A_223 = arith.constant 0 : i32
      %dma_start3A_224 = tpu.memref_slice %arg4[%scan3A_166, %dma_start3A_223] : memref<64x100000xf32, #tpu.memory_space<hbm>> -> memref<1x100000xf32, #tpu.memory_space<hbm>>
      %dma_start3A_225 = tpu.memref_squeeze %dma_start3A_224 : memref<1x100000xf32, #tpu.memory_space<hbm>> -> memref<100000xf32, #tpu.memory_space<hbm>>
      %dma_start3A_226 = arith.constant 0 : i32
      %dma_start3A_227 = tpu.memref_slice %dma_start3A_225[%dma_start3A_226] : memref<100000xf32, #tpu.memory_space<hbm>> -> memref<100000xf32, #tpu.memory_space<hbm>>
      tpu.enqueue_indirect_dma source(%dma_start3A_227 : memref<100000xf32, #tpu.memory_space<hbm>>) target(%dma_start3A_219 : memref<128xf32, #tpu.memory_space<vmem>>) offsets(%dma_start3A_222 : memref<128xi32, #tpu.memory_space<vmem>>) semaphore(%arg18 : memref<!tpu.dma_semaphore, #tpu.memory_space<semaphore_mem>>)
      %dma_start3A_228 = arith.constant 2 : i32
      %dma_start3A_229 = arith.constant 256 : i32
      %dma_start3A_230 = tpu.memref_slice %arg13[%scan3A_166, %dma_start3A_229] : memref<64x512xf32, #tpu.memory_space<vmem>> -> memref<1x128xf32, #tpu.memory_space<vmem>>
      %dma_start3A_231 = tpu.memref_squeeze %dma_start3A_230 : memref<1x128xf32, #tpu.memory_space<vmem>> -> memref<128xf32, #tpu.memory_space<vmem>>
      %dma_start3A_232 = arith.constant 0 : i32
      %dma_start3A_233 = tpu.memref_slice %arg11[%dma_start3A_228, %dma_start3A_232] : memref<4x128xi32, #tpu.memory_space<vmem>> -> memref<1x128xi32, #tpu.memory_space<vmem>>
      %dma_start3A_234 = tpu.memref_squeeze %dma_start3A_233 : memref<1x128xi32, #tpu.memory_space<vmem>> -> memref<128xi32, #tpu.memory_space<vmem>>
      %dma_start3A_235 = arith.constant 0 : i32
      %dma_start3A_236 = tpu.memref_slice %arg5[%scan3A_166, %dma_start3A_235] : memref<64x1000000xf32, #tpu.memory_space<hbm>> -> memref<1x1000000xf32, #tpu.memory_space<hbm>>
      %dma_start3A_237 = tpu.memref_squeeze %dma_start3A_236 : memref<1x1000000xf32, #tpu.memory_space<hbm>> -> memref<1000000xf32, #tpu.memory_space<hbm>>
      %dma_start3A_238 = arith.constant 0 : i32
      %dma_start3A_239 = tpu.memref_slice %dma_start3A_237[%dma_start3A_238] : memref<1000000xf32, #tpu.memory_space<hbm>> -> memref<1000000xf32, #tpu.memory_space<hbm>>
      tpu.enqueue_indirect_dma source(%dma_start3A_239 : memref<1000000xf32, #tpu.memory_space<hbm>>) target(%dma_start3A_231 : memref<128xf32, #tpu.memory_space<vmem>>) offsets(%dma_start3A_234 : memref<128xi32, #tpu.memory_space<vmem>>) semaphore(%arg18 : memref<!tpu.dma_semaphore, #tpu.memory_space<semaphore_mem>>)
      %dma_start3A_240 = arith.constant 3 : i32
      %dma_start3A_241 = arith.constant 384 : i32
      %dma_start3A_242 = tpu.memref_slice %arg12[%scan3A_166, %dma_start3A_241] : memref<64x512xf32, #tpu.memory_space<vmem>> -> memref<1x128xf32, #tpu.memory_space<vmem>>
      %dma_start3A_243 = tpu.memref_squeeze %dma_start3A_242 : memref<1x128xf32, #tpu.memory_space<vmem>> -> memref<128xf32, #tpu.memory_space<vmem>>
      %dma_start3A_244 = arith.constant 0 : i32
      %dma_start3A_245 = tpu.memref_slice %arg10[%dma_start3A_240, %dma_start3A_244] : memref<4x128xi32, #tpu.memory_space<vmem>> -> memref<1x128xi32, #tpu.memory_space<vmem>>
      %dma_start3A_246 = tpu.memref_squeeze %dma_start3A_245 : memref<1x128xi32, #tpu.memory_space<vmem>> -> memref<128xi32, #tpu.memory_space<vmem>>
      %dma_start3A_247 = arith.constant 0 : i32
      %dma_start3A_248 = tpu.memref_slice %arg4[%scan3A_166, %dma_start3A_247] : memref<64x100000xf32, #tpu.memory_space<hbm>> -> memref<1x100000xf32, #tpu.memory_space<hbm>>
      %dma_start3A_249 = tpu.memref_squeeze %dma_start3A_248 : memref<1x100000xf32, #tpu.memory_space<hbm>> -> memref<100000xf32, #tpu.memory_space<hbm>>
      %dma_start3A_250 = arith.constant 0 : i32
      %dma_start3A_251 = tpu.memref_slice %dma_start3A_249[%dma_start3A_250] : memref<100000xf32, #tpu.memory_space<hbm>> -> memref<100000xf32, #tpu.memory_space<hbm>>
      tpu.enqueue_indirect_dma source(%dma_start3A_251 : memref<100000xf32, #tpu.memory_space<hbm>>) target(%dma_start3A_243 : memref<128xf32, #tpu.memory_space<vmem>>) offsets(%dma_start3A_246 : memref<128xi32, #tpu.memory_space<vmem>>) semaphore(%arg18 : memref<!tpu.dma_semaphore, #tpu.memory_space<semaphore_mem>>)
      %dma_start3A_252 = arith.constant 3 : i32
      %dma_start3A_253 = arith.constant 384 : i32
      %dma_start3A_254 = tpu.memref_slice %arg13[%scan3A_166, %dma_start3A_253] : memref<64x512xf32, #tpu.memory_space<vmem>> -> memref<1x128xf32, #tpu.memory_space<vmem>>
      %dma_start3A_255 = tpu.memref_squeeze %dma_start3A_254 : memref<1x128xf32, #tpu.memory_space<vmem>> -> memref<128xf32, #tpu.memory_space<vmem>>
      %dma_start3A_256 = arith.constant 0 : i32
      %dma_start3A_257 = tpu.memref_slice %arg11[%dma_start3A_252, %dma_start3A_256] : memref<4x128xi32, #tpu.memory_space<vmem>> -> memref<1x128xi32, #tpu.memory_space<vmem>>
      %dma_start3A_258 = tpu.memref_squeeze %dma_start3A_257 : memref<1x128xi32, #tpu.memory_space<vmem>> -> memref<128xi32, #tpu.memory_space<vmem>>
      %dma_start3A_259 = arith.constant 0 : i32
      %dma_start3A_260 = tpu.memref_slice %arg5[%scan3A_166, %dma_start3A_259] : memref<64x1000000xf32, #tpu.memory_space<hbm>> -> memref<1x1000000xf32, #tpu.memory_space<hbm>>
      %dma_start3A_261 = tpu.memref_squeeze %dma_start3A_260 : memref<1x1000000xf32, #tpu.memory_space<hbm>> -> memref<1000000xf32, #tpu.memory_space<hbm>>
      %dma_start3A_262 = arith.constant 0 : i32
      %dma_start3A_263 = tpu.memref_slice %dma_start3A_261[%dma_start3A_262] : memref<1000000xf32, #tpu.memory_space<hbm>> -> memref<1000000xf32, #tpu.memory_space<hbm>>
      tpu.enqueue_indirect_dma source(%dma_start3A_263 : memref<1000000xf32, #tpu.memory_space<hbm>>) target(%dma_start3A_255 : memref<128xf32, #tpu.memory_space<vmem>>) offsets(%dma_start3A_258 : memref<128xi32, #tpu.memory_space<vmem>>) semaphore(%arg18 : memref<!tpu.dma_semaphore, #tpu.memory_space<semaphore_mem>>)
      %dma_wait3A_264 = arith.constant 0 : i32
      %dma_wait3A_265 = arith.constant 0 : i32
      %dma_wait3A_266 = tpu.memref_slice %arg12[%scan3A_166, %dma_wait3A_265] : memref<64x512xf32, #tpu.memory_space<vmem>> -> memref<1x128xf32, #tpu.memory_space<vmem>>
      %dma_wait3A_267 = tpu.memref_squeeze %dma_wait3A_266 : memref<1x128xf32, #tpu.memory_space<vmem>> -> memref<128xf32, #tpu.memory_space<vmem>>
      %dma_wait3A_268 = arith.constant 0 : i32
      %dma_wait3A_269 = tpu.memref_slice %arg10[%dma_wait3A_264, %dma_wait3A_268] : memref<4x128xi32, #tpu.memory_space<vmem>> -> memref<1x128xi32, #tpu.memory_space<vmem>>
      %dma_wait3A_270 = tpu.memref_squeeze %dma_wait3A_269 : memref<1x128xi32, #tpu.memory_space<vmem>> -> memref<128xi32, #tpu.memory_space<vmem>>
      %dma_wait3A_271 = arith.constant 0 : i32
      %dma_wait3A_272 = tpu.memref_slice %arg4[%scan3A_166, %dma_wait3A_271] : memref<64x100000xf32, #tpu.memory_space<hbm>> -> memref<1x100000xf32, #tpu.memory_space<hbm>>
      %dma_wait3A_273 = tpu.memref_squeeze %dma_wait3A_272 : memref<1x100000xf32, #tpu.memory_space<hbm>> -> memref<100000xf32, #tpu.memory_space<hbm>>
      %dma_wait3A_274 = arith.constant 0 : i32
      %dma_wait3A_275 = tpu.memref_slice %dma_wait3A_273[%dma_wait3A_274] : memref<100000xf32, #tpu.memory_space<hbm>> -> memref<100000xf32, #tpu.memory_space<hbm>>
      tpu.wait_indirect_dma semaphore(%arg18 : memref<!tpu.dma_semaphore, #tpu.memory_space<semaphore_mem>>) src(%dma_wait3A_275 : memref<100000xf32, #tpu.memory_space<hbm>>) dst(%dma_wait3A_267 : memref<128xf32, #tpu.memory_space<vmem>>)
      %dma_wait3A_276 = arith.constant 0 : i32
      %dma_wait3A_277 = arith.constant 0 : i32
      %dma_wait3A_278 = tpu.memref_slice %arg13[%scan3A_166, %dma_wait3A_277] : memref<64x512xf32, #tpu.memory_space<vmem>> -> memref<1x128xf32, #tpu.memory_space<vmem>>
      %dma_wait3A_279 = tpu.memref_squeeze %dma_wait3A_278 : memref<1x128xf32, #tpu.memory_space<vmem>> -> memref<128xf32, #tpu.memory_space<vmem>>
      %dma_wait3A_280 = arith.constant 0 : i32
      %dma_wait3A_281 = tpu.memref_slice %arg11[%dma_wait3A_276, %dma_wait3A_280] : memref<4x128xi32, #tpu.memory_space<vmem>> -> memref<1x128xi32, #tpu.memory_space<vmem>>
      %dma_wait3A_282 = tpu.memref_squeeze %dma_wait3A_281 : memref<1x128xi32, #tpu.memory_space<vmem>> -> memref<128xi32, #tpu.memory_space<vmem>>
      %dma_wait3A_283 = arith.constant 0 : i32
      %dma_wait3A_284 = tpu.memref_slice %arg5[%scan3A_166, %dma_wait3A_283] : memref<64x1000000xf32, #tpu.memory_space<hbm>> -> memref<1x1000000xf32, #tpu.memory_space<hbm>>
      %dma_wait3A_285 = tpu.memref_squeeze %dma_wait3A_284 : memref<1x1000000xf32, #tpu.memory_space<hbm>> -> memref<1000000xf32, #tpu.memory_space<hbm>>
      %dma_wait3A_286 = arith.constant 0 : i32
      %dma_wait3A_287 = tpu.memref_slice %dma_wait3A_285[%dma_wait3A_286] : memref<1000000xf32, #tpu.memory_space<hbm>> -> memref<1000000xf32, #tpu.memory_space<hbm>>
      tpu.wait_indirect_dma semaphore(%arg18 : memref<!tpu.dma_semaphore, #tpu.memory_space<semaphore_mem>>) src(%dma_wait3A_287 : memref<1000000xf32, #tpu.memory_space<hbm>>) dst(%dma_wait3A_279 : memref<128xf32, #tpu.memory_space<vmem>>)
      %dma_wait3A_288 = arith.constant 1 : i32
      %dma_wait3A_289 = arith.constant 128 : i32
      %dma_wait3A_290 = tpu.memref_slice %arg12[%scan3A_166, %dma_wait3A_289] : memref<64x512xf32, #tpu.memory_space<vmem>> -> memref<1x128xf32, #tpu.memory_space<vmem>>
      %dma_wait3A_291 = tpu.memref_squeeze %dma_wait3A_290 : memref<1x128xf32, #tpu.memory_space<vmem>> -> memref<128xf32, #tpu.memory_space<vmem>>
      %dma_wait3A_292 = arith.constant 0 : i32
      %dma_wait3A_293 = tpu.memref_slice %arg10[%dma_wait3A_288, %dma_wait3A_292] : memref<4x128xi32, #tpu.memory_space<vmem>> -> memref<1x128xi32, #tpu.memory_space<vmem>>
      %dma_wait3A_294 = tpu.memref_squeeze %dma_wait3A_293 : memref<1x128xi32, #tpu.memory_space<vmem>> -> memref<128xi32, #tpu.memory_space<vmem>>
      %dma_wait3A_295 = arith.constant 0 : i32
      %dma_wait3A_296 = tpu.memref_slice %arg4[%scan3A_166, %dma_wait3A_295] : memref<64x100000xf32, #tpu.memory_space<hbm>> -> memref<1x100000xf32, #tpu.memory_space<hbm>>
      %dma_wait3A_297 = tpu.memref_squeeze %dma_wait3A_296 : memref<1x100000xf32, #tpu.memory_space<hbm>> -> memref<100000xf32, #tpu.memory_space<hbm>>
      %dma_wait3A_298 = arith.constant 0 : i32
      %dma_wait3A_299 = tpu.memref_slice %dma_wait3A_297[%dma_wait3A_298] : memref<100000xf32, #tpu.memory_space<hbm>> -> memref<100000xf32, #tpu.memory_space<hbm>>
      tpu.wait_indirect_dma semaphore(%arg18 : memref<!tpu.dma_semaphore, #tpu.memory_space<semaphore_mem>>) src(%dma_wait3A_299 : memref<100000xf32, #tpu.memory_space<hbm>>) dst(%dma_wait3A_291 : memref<128xf32, #tpu.memory_space<vmem>>)
      %dma_wait3A_300 = arith.constant 1 : i32
      %dma_wait3A_301 = arith.constant 128 : i32
      %dma_wait3A_302 = tpu.memref_slice %arg13[%scan3A_166, %dma_wait3A_301] : memref<64x512xf32, #tpu.memory_space<vmem>> -> memref<1x128xf32, #tpu.memory_space<vmem>>
      %dma_wait3A_303 = tpu.memref_squeeze %dma_wait3A_302 : memref<1x128xf32, #tpu.memory_space<vmem>> -> memref<128xf32, #tpu.memory_space<vmem>>
      %dma_wait3A_304 = arith.constant 0 : i32
      %dma_wait3A_305 = tpu.memref_slice %arg11[%dma_wait3A_300, %dma_wait3A_304] : memref<4x128xi32, #tpu.memory_space<vmem>> -> memref<1x128xi32, #tpu.memory_space<vmem>>
      %dma_wait3A_306 = tpu.memref_squeeze %dma_wait3A_305 : memref<1x128xi32, #tpu.memory_space<vmem>> -> memref<128xi32, #tpu.memory_space<vmem>>
      %dma_wait3A_307 = arith.constant 0 : i32
      %dma_wait3A_308 = tpu.memref_slice %arg5[%scan3A_166, %dma_wait3A_307] : memref<64x1000000xf32, #tpu.memory_space<hbm>> -> memref<1x1000000xf32, #tpu.memory_space<hbm>>
      %dma_wait3A_309 = tpu.memref_squeeze %dma_wait3A_308 : memref<1x1000000xf32, #tpu.memory_space<hbm>> -> memref<1000000xf32, #tpu.memory_space<hbm>>
      %dma_wait3A_310 = arith.constant 0 : i32
      %dma_wait3A_311 = tpu.memref_slice %dma_wait3A_309[%dma_wait3A_310] : memref<1000000xf32, #tpu.memory_space<hbm>> -> memref<1000000xf32, #tpu.memory_space<hbm>>
      tpu.wait_indirect_dma semaphore(%arg18 : memref<!tpu.dma_semaphore, #tpu.memory_space<semaphore_mem>>) src(%dma_wait3A_311 : memref<1000000xf32, #tpu.memory_space<hbm>>) dst(%dma_wait3A_303 : memref<128xf32, #tpu.memory_space<vmem>>)
      %dma_wait3A_312 = arith.constant 2 : i32
      %dma_wait3A_313 = arith.constant 256 : i32
      %dma_wait3A_314 = tpu.memref_slice %arg12[%scan3A_166, %dma_wait3A_313] : memref<64x512xf32, #tpu.memory_space<vmem>> -> memref<1x128xf32, #tpu.memory_space<vmem>>
      %dma_wait3A_315 = tpu.memref_squeeze %dma_wait3A_314 : memref<1x128xf32, #tpu.memory_space<vmem>> -> memref<128xf32, #tpu.memory_space<vmem>>
      %dma_wait3A_316 = arith.constant 0 : i32
      %dma_wait3A_317 = tpu.memref_slice %arg10[%dma_wait3A_312, %dma_wait3A_316] : memref<4x128xi32, #tpu.memory_space<vmem>> -> memref<1x128xi32, #tpu.memory_space<vmem>>
      %dma_wait3A_318 = tpu.memref_squeeze %dma_wait3A_317 : memref<1x128xi32, #tpu.memory_space<vmem>> -> memref<128xi32, #tpu.memory_space<vmem>>
      %dma_wait3A_319 = arith.constant 0 : i32
      %dma_wait3A_320 = tpu.memref_slice %arg4[%scan3A_166, %dma_wait3A_319] : memref<64x100000xf32, #tpu.memory_space<hbm>> -> memref<1x100000xf32, #tpu.memory_space<hbm>>
      %dma_wait3A_321 = tpu.memref_squeeze %dma_wait3A_320 : memref<1x100000xf32, #tpu.memory_space<hbm>> -> memref<100000xf32, #tpu.memory_space<hbm>>
      %dma_wait3A_322 = arith.constant 0 : i32
      %dma_wait3A_323 = tpu.memref_slice %dma_wait3A_321[%dma_wait3A_322] : memref<100000xf32, #tpu.memory_space<hbm>> -> memref<100000xf32, #tpu.memory_space<hbm>>
      tpu.wait_indirect_dma semaphore(%arg18 : memref<!tpu.dma_semaphore, #tpu.memory_space<semaphore_mem>>) src(%dma_wait3A_323 : memref<100000xf32, #tpu.memory_space<hbm>>) dst(%dma_wait3A_315 : memref<128xf32, #tpu.memory_space<vmem>>)
      %dma_wait3A_324 = arith.constant 2 : i32
      %dma_wait3A_325 = arith.constant 256 : i32
      %dma_wait3A_326 = tpu.memref_slice %arg13[%scan3A_166, %dma_wait3A_325] : memref<64x512xf32, #tpu.memory_space<vmem>> -> memref<1x128xf32, #tpu.memory_space<vmem>>
      %dma_wait3A_327 = tpu.memref_squeeze %dma_wait3A_326 : memref<1x128xf32, #tpu.memory_space<vmem>> -> memref<128xf32, #tpu.memory_space<vmem>>
      %dma_wait3A_328 = arith.constant 0 : i32
      %dma_wait3A_329 = tpu.memref_slice %arg11[%dma_wait3A_324, %dma_wait3A_328] : memref<4x128xi32, #tpu.memory_space<vmem>> -> memref<1x128xi32, #tpu.memory_space<vmem>>
      %dma_wait3A_330 = tpu.memref_squeeze %dma_wait3A_329 : memref<1x128xi32, #tpu.memory_space<vmem>> -> memref<128xi32, #tpu.memory_space<vmem>>
      %dma_wait3A_331 = arith.constant 0 : i32
      %dma_wait3A_332 = tpu.memref_slice %arg5[%scan3A_166, %dma_wait3A_331] : memref<64x1000000xf32, #tpu.memory_space<hbm>> -> memref<1x1000000xf32, #tpu.memory_space<hbm>>
      %dma_wait3A_333 = tpu.memref_squeeze %dma_wait3A_332 : memref<1x1000000xf32, #tpu.memory_space<hbm>> -> memref<1000000xf32, #tpu.memory_space<hbm>>
      %dma_wait3A_334 = arith.constant 0 : i32
      %dma_wait3A_335 = tpu.memref_slice %dma_wait3A_333[%dma_wait3A_334] : memref<1000000xf32, #tpu.memory_space<hbm>> -> memref<1000000xf32, #tpu.memory_space<hbm>>
      tpu.wait_indirect_dma semaphore(%arg18 : memref<!tpu.dma_semaphore, #tpu.memory_space<semaphore_mem>>) src(%dma_wait3A_335 : memref<1000000xf32, #tpu.memory_space<hbm>>) dst(%dma_wait3A_327 : memref<128xf32, #tpu.memory_space<vmem>>)
      %dma_wait3A_336 = arith.constant 3 : i32
      %dma_wait3A_337 = arith.constant 384 : i32
      %dma_wait3A_338 = tpu.memref_slice %arg12[%scan3A_166, %dma_wait3A_337] : memref<64x512xf32, #tpu.memory_space<vmem>> -> memref<1x128xf32, #tpu.memory_space<vmem>>
      %dma_wait3A_339 = tpu.memref_squeeze %dma_wait3A_338 : memref<1x128xf32, #tpu.memory_space<vmem>> -> memref<128xf32, #tpu.memory_space<vmem>>
      %dma_wait3A_340 = arith.constant 0 : i32
      %dma_wait3A_341 = tpu.memref_slice %arg10[%dma_wait3A_336, %dma_wait3A_340] : memref<4x128xi32, #tpu.memory_space<vmem>> -> memref<1x128xi32, #tpu.memory_space<vmem>>
      %dma_wait3A_342 = tpu.memref_squeeze %dma_wait3A_341 : memref<1x128xi32, #tpu.memory_space<vmem>> -> memref<128xi32, #tpu.memory_space<vmem>>
      %dma_wait3A_343 = arith.constant 0 : i32
      %dma_wait3A_344 = tpu.memref_slice %arg4[%scan3A_166, %dma_wait3A_343] : memref<64x100000xf32, #tpu.memory_space<hbm>> -> memref<1x100000xf32, #tpu.memory_space<hbm>>
      %dma_wait3A_345 = tpu.memref_squeeze %dma_wait3A_344 : memref<1x100000xf32, #tpu.memory_space<hbm>> -> memref<100000xf32, #tpu.memory_space<hbm>>
      %dma_wait3A_346 = arith.constant 0 : i32
      %dma_wait3A_347 = tpu.memref_slice %dma_wait3A_345[%dma_wait3A_346] : memref<100000xf32, #tpu.memory_space<hbm>> -> memref<100000xf32, #tpu.memory_space<hbm>>
      tpu.wait_indirect_dma semaphore(%arg18 : memref<!tpu.dma_semaphore, #tpu.memory_space<semaphore_mem>>) src(%dma_wait3A_347 : memref<100000xf32, #tpu.memory_space<hbm>>) dst(%dma_wait3A_339 : memref<128xf32, #tpu.memory_space<vmem>>)
      %dma_wait3A_348 = arith.constant 3 : i32
      %dma_wait3A_349 = arith.constant 384 : i32
      %dma_wait3A_350 = tpu.memref_slice %arg13[%scan3A_166, %dma_wait3A_349] : memref<64x512xf32, #tpu.memory_space<vmem>> -> memref<1x128xf32, #tpu.memory_space<vmem>>
      %dma_wait3A_351 = tpu.memref_squeeze %dma_wait3A_350 : memref<1x128xf32, #tpu.memory_space<vmem>> -> memref<128xf32, #tpu.memory_space<vmem>>
      %dma_wait3A_352 = arith.constant 0 : i32
      %dma_wait3A_353 = tpu.memref_slice %arg11[%dma_wait3A_348, %dma_wait3A_352] : memref<4x128xi32, #tpu.memory_space<vmem>> -> memref<1x128xi32, #tpu.memory_space<vmem>>
      %dma_wait3A_354 = tpu.memref_squeeze %dma_wait3A_353 : memref<1x128xi32, #tpu.memory_space<vmem>> -> memref<128xi32, #tpu.memory_space<vmem>>
      %dma_wait3A_355 = arith.constant 0 : i32
      %dma_wait3A_356 = tpu.memref_slice %arg5[%scan3A_166, %dma_wait3A_355] : memref<64x1000000xf32, #tpu.memory_space<hbm>> -> memref<1x1000000xf32, #tpu.memory_space<hbm>>
      %dma_wait3A_357 = tpu.memref_squeeze %dma_wait3A_356 : memref<1x1000000xf32, #tpu.memory_space<hbm>> -> memref<1000000xf32, #tpu.memory_space<hbm>>
      %dma_wait3A_358 = arith.constant 0 : i32
      %dma_wait3A_359 = tpu.memref_slice %dma_wait3A_357[%dma_wait3A_358] : memref<1000000xf32, #tpu.memory_space<hbm>> -> memref<1000000xf32, #tpu.memory_space<hbm>>
      tpu.wait_indirect_dma semaphore(%arg18 : memref<!tpu.dma_semaphore, #tpu.memory_space<semaphore_mem>>) src(%dma_wait3A_359 : memref<1000000xf32, #tpu.memory_space<hbm>>) dst(%dma_wait3A_351 : memref<128xf32, #tpu.memory_space<vmem>>)
      %scan3A_360 = arith.constant 0 : i32
      scf.yield %scan3A_360 : i32
    }
    %scan3A_94 = arith.constant 64 : i32
    %iota3A = tpu.iota {dimensions = array<i32: 0>} : vector<16xi32>
    %get3A = arith.constant 0 : index
    %get3A_95 = tpu.vector_load %arg16[%get3A] {strides = array<i32>} : memref<16xf32, #tpu.memory_space<vmem>>, vector<16xf32>,
    %dma_wait3A = arith.constant 0 : i32
    %dma_wait3A_96 = arith.constant 0 : i32
    %dma_wait3A_97 = tpu.memref_slice %arg14[%dma_wait3A_96] : memref<512xf32, #tpu.memory_space<vmem>> -> memref<128xf32, #tpu.memory_space<vmem>>
    %dma_wait3A_98 = arith.constant 0 : i32
    %dma_wait3A_99 = tpu.memref_slice %arg10[%dma_wait3A, %dma_wait3A_98] : memref<4x128xi32, #tpu.memory_space<vmem>> -> memref<1x128xi32, #tpu.memory_space<vmem>>
    %dma_wait3A_100 = tpu.memref_squeeze %dma_wait3A_99 : memref<1x128xi32, #tpu.memory_space<vmem>> -> memref<128xi32, #tpu.memory_space<vmem>>
    %dma_wait3A_101 = arith.constant 0 : i32
    %dma_wait3A_102 = tpu.memref_slice %arg6[%dma_wait3A_101] : memref<100000xf32, #tpu.memory_space<hbm>> -> memref<100000xf32, #tpu.memory_space<hbm>>
    tpu.wait_indirect_dma semaphore(%arg19 : memref<!tpu.dma_semaphore, #tpu.memory_space<semaphore_mem>>) src(%dma_wait3A_102 : memref<100000xf32, #tpu.memory_space<hbm>>) dst(%dma_wait3A_97 : memref<128xf32, #tpu.memory_space<vmem>>)
    %dma_wait3A_103 = arith.constant 0 : i32
    %dma_wait3A_104 = arith.constant 0 : i32
    %dma_wait3A_105 = tpu.memref_slice %arg15[%dma_wait3A_104] : memref<512xf32, #tpu.memory_space<vmem>> -> memref<128xf32, #tpu.memory_space<vmem>>
    %dma_wait3A_106 = arith.constant 0 : i32
    %dma_wait3A_107 = tpu.memref_slice %arg11[%dma_wait3A_103, %dma_wait3A_106] : memref<4x128xi32, #tpu.memory_space<vmem>> -> memref<1x128xi32, #tpu.memory_space<vmem>>
    %dma_wait3A_108 = tpu.memref_squeeze %dma_wait3A_107 : memref<1x128xi32, #tpu.memory_space<vmem>> -> memref<128xi32, #tpu.memory_space<vmem>>
    %dma_wait3A_109 = arith.constant 0 : i32
    %dma_wait3A_110 = tpu.memref_slice %arg7[%dma_wait3A_109] : memref<1000000xf32, #tpu.memory_space<hbm>> -> memref<1000000xf32, #tpu.memory_space<hbm>>
    tpu.wait_indirect_dma semaphore(%arg19 : memref<!tpu.dma_semaphore, #tpu.memory_space<semaphore_mem>>) src(%dma_wait3A_110 : memref<1000000xf32, #tpu.memory_space<hbm>>) dst(%dma_wait3A_105 : memref<128xf32, #tpu.memory_space<vmem>>)
    %dma_wait3A_111 = arith.constant 1 : i32
    %dma_wait3A_112 = arith.constant 128 : i32
    %dma_wait3A_113 = tpu.memref_slice %arg14[%dma_wait3A_112] : memref<512xf32, #tpu.memory_space<vmem>> -> memref<128xf32, #tpu.memory_space<vmem>>
    %dma_wait3A_114 = arith.constant 0 : i32
    %dma_wait3A_115 = tpu.memref_slice %arg10[%dma_wait3A_111, %dma_wait3A_114] : memref<4x128xi32, #tpu.memory_space<vmem>> -> memref<1x128xi32, #tpu.memory_space<vmem>>
    %dma_wait3A_116 = tpu.memref_squeeze %dma_wait3A_115 : memref<1x128xi32, #tpu.memory_space<vmem>> -> memref<128xi32, #tpu.memory_space<vmem>>
    %dma_wait3A_117 = arith.constant 0 : i32
    %dma_wait3A_118 = tpu.memref_slice %arg6[%dma_wait3A_117] : memref<100000xf32, #tpu.memory_space<hbm>> -> memref<100000xf32, #tpu.memory_space<hbm>>
    tpu.wait_indirect_dma semaphore(%arg19 : memref<!tpu.dma_semaphore, #tpu.memory_space<semaphore_mem>>) src(%dma_wait3A_118 : memref<100000xf32, #tpu.memory_space<hbm>>) dst(%dma_wait3A_113 : memref<128xf32, #tpu.memory_space<vmem>>)
    %dma_wait3A_119 = arith.constant 1 : i32
    %dma_wait3A_120 = arith.constant 128 : i32
    %dma_wait3A_121 = tpu.memref_slice %arg15[%dma_wait3A_120] : memref<512xf32, #tpu.memory_space<vmem>> -> memref<128xf32, #tpu.memory_space<vmem>>
    %dma_wait3A_122 = arith.constant 0 : i32
    %dma_wait3A_123 = tpu.memref_slice %arg11[%dma_wait3A_119, %dma_wait3A_122] : memref<4x128xi32, #tpu.memory_space<vmem>> -> memref<1x128xi32, #tpu.memory_space<vmem>>
    %dma_wait3A_124 = tpu.memref_squeeze %dma_wait3A_123 : memref<1x128xi32, #tpu.memory_space<vmem>> -> memref<128xi32, #tpu.memory_space<vmem>>
    %dma_wait3A_125 = arith.constant 0 : i32
    %dma_wait3A_126 = tpu.memref_slice %arg7[%dma_wait3A_125] : memref<1000000xf32, #tpu.memory_space<hbm>> -> memref<1000000xf32, #tpu.memory_space<hbm>>
    tpu.wait_indirect_dma semaphore(%arg19 : memref<!tpu.dma_semaphore, #tpu.memory_space<semaphore_mem>>) src(%dma_wait3A_126 : memref<1000000xf32, #tpu.memory_space<hbm>>) dst(%dma_wait3A_121 : memref<128xf32, #tpu.memory_space<vmem>>)
    %dma_wait3A_127 = arith.constant 2 : i32
    %dma_wait3A_128 = arith.constant 256 : i32
    %dma_wait3A_129 = tpu.memref_slice %arg14[%dma_wait3A_128] : memref<512xf32, #tpu.memory_space<vmem>> -> memref<128xf32, #tpu.memory_space<vmem>>
    %dma_wait3A_130 = arith.constant 0 : i32
    %dma_wait3A_131 = tpu.memref_slice %arg10[%dma_wait3A_127, %dma_wait3A_130] : memref<4x128xi32, #tpu.memory_space<vmem>> -> memref<1x128xi32, #tpu.memory_space<vmem>>
    %dma_wait3A_132 = tpu.memref_squeeze %dma_wait3A_131 : memref<1x128xi32, #tpu.memory_space<vmem>> -> memref<128xi32, #tpu.memory_space<vmem>>
    %dma_wait3A_133 = arith.constant 0 : i32
    %dma_wait3A_134 = tpu.memref_slice %arg6[%dma_wait3A_133] : memref<100000xf32, #tpu.memory_space<hbm>> -> memref<100000xf32, #tpu.memory_space<hbm>>
    tpu.wait_indirect_dma semaphore(%arg19 : memref<!tpu.dma_semaphore, #tpu.memory_space<semaphore_mem>>) src(%dma_wait3A_134 : memref<100000xf32, #tpu.memory_space<hbm>>) dst(%dma_wait3A_129 : memref<128xf32, #tpu.memory_space<vmem>>)
    %dma_wait3A_135 = arith.constant 2 : i32
    %dma_wait3A_136 = arith.constant 256 : i32
    %dma_wait3A_137 = tpu.memref_slice %arg15[%dma_wait3A_136] : memref<512xf32, #tpu.memory_space<vmem>> -> memref<128xf32, #tpu.memory_space<vmem>>
    %dma_wait3A_138 = arith.constant 0 : i32
    %dma_wait3A_139 = tpu.memref_slice %arg11[%dma_wait3A_135, %dma_wait3A_138] : memref<4x128xi32, #tpu.memory_space<vmem>> -> memref<1x128xi32, #tpu.memory_space<vmem>>
    %dma_wait3A_140 = tpu.memref_squeeze %dma_wait3A_139 : memref<1x128xi32, #tpu.memory_space<vmem>> -> memref<128xi32, #tpu.memory_space<vmem>>
    %dma_wait3A_141 = arith.constant 0 : i32
    %dma_wait3A_142 = tpu.memref_slice %arg7[%dma_wait3A_141] : memref<1000000xf32, #tpu.memory_space<hbm>> -> memref<1000000xf32, #tpu.memory_space<hbm>>
    tpu.wait_indirect_dma semaphore(%arg19 : memref<!tpu.dma_semaphore, #tpu.memory_space<semaphore_mem>>) src(%dma_wait3A_142 : memref<1000000xf32, #tpu.memory_space<hbm>>) dst(%dma_wait3A_137 : memref<128xf32, #tpu.memory_space<vmem>>)
    %dma_wait3A_143 = arith.constant 3 : i32
    %dma_wait3A_144 = arith.constant 384 : i32
    %dma_wait3A_145 = tpu.memref_slice %arg14[%dma_wait3A_144] : memref<512xf32, #tpu.memory_space<vmem>> -> memref<128xf32, #tpu.memory_space<vmem>>
    %dma_wait3A_146 = arith.constant 0 : i32
    %dma_wait3A_147 = tpu.memref_slice %arg10[%dma_wait3A_143, %dma_wait3A_146] : memref<4x128xi32, #tpu.memory_space<vmem>> -> memref<1x128xi32, #tpu.memory_space<vmem>>
    %dma_wait3A_148 = tpu.memref_squeeze %dma_wait3A_147 : memref<1x128xi32, #tpu.memory_space<vmem>> -> memref<128xi32, #tpu.memory_space<vmem>>
    %dma_wait3A_149 = arith.constant 0 : i32
    %dma_wait3A_150 = tpu.memref_slice %arg6[%dma_wait3A_149] : memref<100000xf32, #tpu.memory_space<hbm>> -> memref<100000xf32, #tpu.memory_space<hbm>>
    tpu.wait_indirect_dma semaphore(%arg19 : memref<!tpu.dma_semaphore, #tpu.memory_space<semaphore_mem>>) src(%dma_wait3A_150 : memref<100000xf32, #tpu.memory_space<hbm>>) dst(%dma_wait3A_145 : memref<128xf32, #tpu.memory_space<vmem>>)
    %dma_wait3A_151 = arith.constant 3 : i32
    %dma_wait3A_152 = arith.constant 384 : i32
    %dma_wait3A_153 = tpu.memref_slice %arg15[%dma_wait3A_152] : memref<512xf32, #tpu.memory_space<vmem>> -> memref<128xf32, #tpu.memory_space<vmem>>
    %dma_wait3A_154 = arith.constant 0 : i32
    %dma_wait3A_155 = tpu.memref_slice %arg11[%dma_wait3A_151, %dma_wait3A_154] : memref<4x128xi32, #tpu.memory_space<vmem>> -> memref<1x128xi32, #tpu.memory_space<vmem>>
    %dma_wait3A_156 = tpu.memref_squeeze %dma_wait3A_155 : memref<1x128xi32, #tpu.memory_space<vmem>> -> memref<128xi32, #tpu.memory_space<vmem>>
    %dma_wait3A_157 = arith.constant 0 : i32
    %dma_wait3A_158 = tpu.memref_slice %arg7[%dma_wait3A_157] : memref<1000000xf32, #tpu.memory_space<hbm>> -> memref<1000000xf32, #tpu.memory_space<hbm>>
    tpu.wait_indirect_dma semaphore(%arg19 : memref<!tpu.dma_semaphore, #tpu.memory_space<semaphore_mem>>) src(%dma_wait3A_158 : memref<1000000xf32, #tpu.memory_space<hbm>>) dst(%dma_wait3A_153 : memref<128xf32, #tpu.memory_space<vmem>>)
    %scan3A_159 = arith.constant 0 : i32
    %scan3A_160 = arith.constant 0 : i32
    %scan3A_161 = arith.constant 32 : i32
    %scan3A_162 = arith.addi %scan3A_160, %scan3A_161 : i32
    %scan3A_163 = arith.constant 1 : i32
    %scan3A_164 = scf.for %scan3A_166 = %scan3A_160 to %scan3A_162 step %scan3A_163 iter_args(%scan3A_167 = %scan3A_159) -> (i32)  : i32 {
      %mul3A_168 = arith.constant 16 : i32
      %mul3A_169 = arith.muli %scan3A_166, %mul3A_168 : i32
      %broadcast_in_dim3A = arith.constant 0.000000e+00 : f32
      %broadcast_in_dim3A_170 = vector.broadcast %broadcast_in_dim3A : f32 to vector<16xf32>
      %get3A_171 = arith.constant 0 : i32
      %get3A_172 = arith.index_cast %get3A_171 : i32 to index
      %get3A_173 = arith.index_cast %mul3A_169 : i32 to index
      %get3A_174 = tpu.vector_load %arg12[%get3A_172, %get3A_173] {strides = array<i32>} : memref<64x512xf32, #tpu.memory_space<vmem>>, vector<16xf32>,
      %get3A_175 = arith.constant 0 : i32
      %get3A_176 = arith.index_cast %get3A_175 : i32 to index
      %get3A_177 = arith.index_cast %mul3A_169 : i32 to index
      %get3A_178 = tpu.vector_load %arg13[%get3A_176, %get3A_177] {strides = array<i32>} : memref<64x512xf32, #tpu.memory_space<vmem>>, vector<16xf32>,
      %mul3A_179 = arith.mulf %get3A_174, %get3A_178 : vector<16xf32>
      %add3A_180 = arith.addf %broadcast_in_dim3A_170, %mul3A_179 : vector<16xf32>
      %get3A_181 = arith.constant 1 : i32
      %get3A_182 = arith.index_cast %get3A_181 : i32 to index
      %get3A_183 = arith.index_cast %mul3A_169 : i32 to index
      %get3A_184 = tpu.vector_load %arg12[%get3A_182, %get3A_183] {strides = array<i32>} : memref<64x512xf32, #tpu.memory_space<vmem>>, vector<16xf32>,
      %get3A_185 = arith.constant 1 : i32
      %get3A_186 = arith.index_cast %get3A_185 : i32 to index
      %get3A_187 = arith.index_cast %mul3A_169 : i32 to index
      %get3A_188 = tpu.vector_load %arg13[%get3A_186, %get3A_187] {strides = array<i32>} : memref<64x512xf32, #tpu.memory_space<vmem>>, vector<16xf32>,
      %mul3A_189 = arith.mulf %get3A_184, %get3A_188 : vector<16xf32>
      %add3A_190 = arith.addf %add3A_180, %mul3A_189 : vector<16xf32>
      %get3A_191 = arith.constant 2 : i32
      %get3A_192 = arith.index_cast %get3A_191 : i32 to index
      %get3A_193 = arith.index_cast %mul3A_169 : i32 to index
      %get3A_194 = tpu.vector_load %arg12[%get3A_192, %get3A_193] {strides = array<i32>} : memref<64x512xf32, #tpu.memory_space<vmem>>, vector<16xf32>,
      %get3A_195 = arith.constant 2 : i32
      %get3A_196 = arith.index_cast %get3A_195 : i32 to index
      %get3A_197 = arith.index_cast %mul3A_169 : i32 to index
      %get3A_198 = tpu.vector_load %arg13[%get3A_196, %get3A_197] {strides = array<i32>} : memref<64x512xf32, #tpu.memory_space<vmem>>, vector<16xf32>,
      %mul3A_199 = arith.mulf %get3A_194, %get3A_198 : vector<16xf32>
      %add3A_200 = arith.addf %add3A_190, %mul3A_199 : vector<16xf32>
      %get3A_201 = arith.constant 3 : i32
      %get3A_202 = arith.index_cast %get3A_201 : i32 to index
      %get3A_203 = arith.index_cast %mul3A_169 : i32 to index
      %get3A_204 = tpu.vector_load %arg12[%get3A_202, %get3A_203] {strides = array<i32>} : memref<64x512xf32, #tpu.memory_space<vmem>>, vector<16xf32>,
      %get3A_205 = arith.constant 3 : i32
      %get3A_206 = arith.index_cast %get3A_205 : i32 to index
      %get3A_207 = arith.index_cast %mul3A_169 : i32 to index
      %get3A_208 = tpu.vector_load %arg13[%get3A_206, %get3A_207] {strides = array<i32>} : memref<64x512xf32, #tpu.memory_space<vmem>>, vector<16xf32>,
      %mul3A_209 = arith.mulf %get3A_204, %get3A_208 : vector<16xf32>
      %add3A_210 = arith.addf %add3A_200, %mul3A_209 : vector<16xf32>
      %get3A_211 = arith.constant 4 : i32
      %get3A_212 = arith.index_cast %get3A_211 : i32 to index
      %get3A_213 = arith.index_cast %mul3A_169 : i32 to index
      %get3A_214 = tpu.vector_load %arg12[%get3A_212, %get3A_213] {strides = array<i32>} : memref<64x512xf32, #tpu.memory_space<vmem>>, vector<16xf32>,
      %get3A_215 = arith.constant 4 : i32
      %get3A_216 = arith.index_cast %get3A_215 : i32 to index
      %get3A_217 = arith.index_cast %mul3A_169 : i32 to index
      %get3A_218 = tpu.vector_load %arg13[%get3A_216, %get3A_217] {strides = array<i32>} : memref<64x512xf32, #tpu.memory_space<vmem>>, vector<16xf32>,
      %mul3A_219 = arith.mulf %get3A_214, %get3A_218 : vector<16xf32>
      %add3A_220 = arith.addf %add3A_210, %mul3A_219 : vector<16xf32>
      %get3A_221 = arith.constant 5 : i32
      %get3A_222 = arith.index_cast %get3A_221 : i32 to index
      %get3A_223 = arith.index_cast %mul3A_169 : i32 to index
      %get3A_224 = tpu.vector_load %arg12[%get3A_222, %get3A_223] {strides = array<i32>} : memref<64x512xf32, #tpu.memory_space<vmem>>, vector<16xf32>,
      %get3A_225 = arith.constant 5 : i32
      %get3A_226 = arith.index_cast %get3A_225 : i32 to index
      %get3A_227 = arith.index_cast %mul3A_169 : i32 to index
      %get3A_228 = tpu.vector_load %arg13[%get3A_226, %get3A_227] {strides = array<i32>} : memref<64x512xf32, #tpu.memory_space<vmem>>, vector<16xf32>,
      %mul3A_229 = arith.mulf %get3A_224, %get3A_228 : vector<16xf32>
      %add3A_230 = arith.addf %add3A_220, %mul3A_229 : vector<16xf32>
      %get3A_231 = arith.constant 6 : i32
      %get3A_232 = arith.index_cast %get3A_231 : i32 to index
      %get3A_233 = arith.index_cast %mul3A_169 : i32 to index
      %get3A_234 = tpu.vector_load %arg12[%get3A_232, %get3A_233] {strides = array<i32>} : memref<64x512xf32, #tpu.memory_space<vmem>>, vector<16xf32>,
      %get3A_235 = arith.constant 6 : i32
      %get3A_236 = arith.index_cast %get3A_235 : i32 to index
      %get3A_237 = arith.index_cast %mul3A_169 : i32 to index
      %get3A_238 = tpu.vector_load %arg13[%get3A_236, %get3A_237] {strides = array<i32>} : memref<64x512xf32, #tpu.memory_space<vmem>>, vector<16xf32>,
      %mul3A_239 = arith.mulf %get3A_234, %get3A_238 : vector<16xf32>
      %add3A_240 = arith.addf %add3A_230, %mul3A_239 : vector<16xf32>
      %get3A_241 = arith.constant 7 : i32
      %get3A_242 = arith.index_cast %get3A_241 : i32 to index
      %get3A_243 = arith.index_cast %mul3A_169 : i32 to index
      %get3A_244 = tpu.vector_load %arg12[%get3A_242, %get3A_243] {strides = array<i32>} : memref<64x512xf32, #tpu.memory_space<vmem>>, vector<16xf32>,
      %get3A_245 = arith.constant 7 : i32
      %get3A_246 = arith.index_cast %get3A_245 : i32 to index
      %get3A_247 = arith.index_cast %mul3A_169 : i32 to index
      %get3A_248 = tpu.vector_load %arg13[%get3A_246, %get3A_247] {strides = array<i32>} : memref<64x512xf32, #tpu.memory_space<vmem>>, vector<16xf32>,
      %mul3A_249 = arith.mulf %get3A_244, %get3A_248 : vector<16xf32>
      %add3A_250 = arith.addf %add3A_240, %mul3A_249 : vector<16xf32>
      %get3A_251 = arith.constant 8 : i32
      %get3A_252 = arith.index_cast %get3A_251 : i32 to index
      %get3A_253 = arith.index_cast %mul3A_169 : i32 to index
      %get3A_254 = tpu.vector_load %arg12[%get3A_252, %get3A_253] {strides = array<i32>} : memref<64x512xf32, #tpu.memory_space<vmem>>, vector<16xf32>,
      %get3A_255 = arith.constant 8 : i32
      %get3A_256 = arith.index_cast %get3A_255 : i32 to index
      %get3A_257 = arith.index_cast %mul3A_169 : i32 to index
      %get3A_258 = tpu.vector_load %arg13[%get3A_256, %get3A_257] {strides = array<i32>} : memref<64x512xf32, #tpu.memory_space<vmem>>, vector<16xf32>,
      %mul3A_259 = arith.mulf %get3A_254, %get3A_258 : vector<16xf32>
      %add3A_260 = arith.addf %add3A_250, %mul3A_259 : vector<16xf32>
      %get3A_261 = arith.constant 9 : i32
      %get3A_262 = arith.index_cast %get3A_261 : i32 to index
      %get3A_263 = arith.index_cast %mul3A_169 : i32 to index
      %get3A_264 = tpu.vector_load %arg12[%get3A_262, %get3A_263] {strides = array<i32>} : memref<64x512xf32, #tpu.memory_space<vmem>>, vector<16xf32>,
      %get3A_265 = arith.constant 9 : i32
      %get3A_266 = arith.index_cast %get3A_265 : i32 to index
      %get3A_267 = arith.index_cast %mul3A_169 : i32 to index
      %get3A_268 = tpu.vector_load %arg13[%get3A_266, %get3A_267] {strides = array<i32>} : memref<64x512xf32, #tpu.memory_space<vmem>>, vector<16xf32>,
      %mul3A_269 = arith.mulf %get3A_264, %get3A_268 : vector<16xf32>
      %add3A_270 = arith.addf %add3A_260, %mul3A_269 : vector<16xf32>
      %get3A_271 = arith.constant 10 : i32
      %get3A_272 = arith.index_cast %get3A_271 : i32 to index
      %get3A_273 = arith.index_cast %mul3A_169 : i32 to index
      %get3A_274 = tpu.vector_load %arg12[%get3A_272, %get3A_273] {strides = array<i32>} : memref<64x512xf32, #tpu.memory_space<vmem>>, vector<16xf32>,
      %get3A_275 = arith.constant 10 : i32
      %get3A_276 = arith.index_cast %get3A_275 : i32 to index
      %get3A_277 = arith.index_cast %mul3A_169 : i32 to index
      %get3A_278 = tpu.vector_load %arg13[%get3A_276, %get3A_277] {strides = array<i32>} : memref<64x512xf32, #tpu.memory_space<vmem>>, vector<16xf32>,
      %mul3A_279 = arith.mulf %get3A_274, %get3A_278 : vector<16xf32>
      %add3A_280 = arith.addf %add3A_270, %mul3A_279 : vector<16xf32>
      %get3A_281 = arith.constant 11 : i32
      %get3A_282 = arith.index_cast %get3A_281 : i32 to index
      %get3A_283 = arith.index_cast %mul3A_169 : i32 to index
      %get3A_284 = tpu.vector_load %arg12[%get3A_282, %get3A_283] {strides = array<i32>} : memref<64x512xf32, #tpu.memory_space<vmem>>, vector<16xf32>,
      %get3A_285 = arith.constant 11 : i32
      %get3A_286 = arith.index_cast %get3A_285 : i32 to index
      %get3A_287 = arith.index_cast %mul3A_169 : i32 to index
      %get3A_288 = tpu.vector_load %arg13[%get3A_286, %get3A_287] {strides = array<i32>} : memref<64x512xf32, #tpu.memory_space<vmem>>, vector<16xf32>,
      %mul3A_289 = arith.mulf %get3A_284, %get3A_288 : vector<16xf32>
      %add3A_290 = arith.addf %add3A_280, %mul3A_289 : vector<16xf32>
      %get3A_291 = arith.constant 12 : i32
      %get3A_292 = arith.index_cast %get3A_291 : i32 to index
      %get3A_293 = arith.index_cast %mul3A_169 : i32 to index
      %get3A_294 = tpu.vector_load %arg12[%get3A_292, %get3A_293] {strides = array<i32>} : memref<64x512xf32, #tpu.memory_space<vmem>>, vector<16xf32>,
      %get3A_295 = arith.constant 12 : i32
      %get3A_296 = arith.index_cast %get3A_295 : i32 to index
      %get3A_297 = arith.index_cast %mul3A_169 : i32 to index
      %get3A_298 = tpu.vector_load %arg13[%get3A_296, %get3A_297] {strides = array<i32>} : memref<64x512xf32, #tpu.memory_space<vmem>>, vector<16xf32>,
      %mul3A_299 = arith.mulf %get3A_294, %get3A_298 : vector<16xf32>
      %add3A_300 = arith.addf %add3A_290, %mul3A_299 : vector<16xf32>
      %get3A_301 = arith.constant 13 : i32
      %get3A_302 = arith.index_cast %get3A_301 : i32 to index
      %get3A_303 = arith.index_cast %mul3A_169 : i32 to index
      %get3A_304 = tpu.vector_load %arg12[%get3A_302, %get3A_303] {strides = array<i32>} : memref<64x512xf32, #tpu.memory_space<vmem>>, vector<16xf32>,
      %get3A_305 = arith.constant 13 : i32
      %get3A_306 = arith.index_cast %get3A_305 : i32 to index
      %get3A_307 = arith.index_cast %mul3A_169 : i32 to index
      %get3A_308 = tpu.vector_load %arg13[%get3A_306, %get3A_307] {strides = array<i32>} : memref<64x512xf32, #tpu.memory_space<vmem>>, vector<16xf32>,
      %mul3A_309 = arith.mulf %get3A_304, %get3A_308 : vector<16xf32>
      %add3A_310 = arith.addf %add3A_300, %mul3A_309 : vector<16xf32>
      %get3A_311 = arith.constant 14 : i32
      %get3A_312 = arith.index_cast %get3A_311 : i32 to index
      %get3A_313 = arith.index_cast %mul3A_169 : i32 to index
      %get3A_314 = tpu.vector_load %arg12[%get3A_312, %get3A_313] {strides = array<i32>} : memref<64x512xf32, #tpu.memory_space<vmem>>, vector<16xf32>,
      %get3A_315 = arith.constant 14 : i32
      %get3A_316 = arith.index_cast %get3A_315 : i32 to index
      %get3A_317 = arith.index_cast %mul3A_169 : i32 to index
      %get3A_318 = tpu.vector_load %arg13[%get3A_316, %get3A_317] {strides = array<i32>} : memref<64x512xf32, #tpu.memory_space<vmem>>, vector<16xf32>,
      %mul3A_319 = arith.mulf %get3A_314, %get3A_318 : vector<16xf32>
      %add3A_320 = arith.addf %add3A_310, %mul3A_319 : vector<16xf32>
      %get3A_321 = arith.constant 15 : i32
      %get3A_322 = arith.index_cast %get3A_321 : i32 to index
      %get3A_323 = arith.index_cast %mul3A_169 : i32 to index
      %get3A_324 = tpu.vector_load %arg12[%get3A_322, %get3A_323] {strides = array<i32>} : memref<64x512xf32, #tpu.memory_space<vmem>>, vector<16xf32>,
      %get3A_325 = arith.constant 15 : i32
      %get3A_326 = arith.index_cast %get3A_325 : i32 to index
      %get3A_327 = arith.index_cast %mul3A_169 : i32 to index
      %get3A_328 = tpu.vector_load %arg13[%get3A_326, %get3A_327] {strides = array<i32>} : memref<64x512xf32, #tpu.memory_space<vmem>>, vector<16xf32>,
      %mul3A_329 = arith.mulf %get3A_324, %get3A_328 : vector<16xf32>
      %add3A_330 = arith.addf %add3A_320, %mul3A_329 : vector<16xf32>
      %get3A_331 = arith.constant 16 : i32
      %get3A_332 = arith.index_cast %get3A_331 : i32 to index
      %get3A_333 = arith.index_cast %mul3A_169 : i32 to index
      %get3A_334 = tpu.vector_load %arg12[%get3A_332, %get3A_333] {strides = array<i32>} : memref<64x512xf32, #tpu.memory_space<vmem>>, vector<16xf32>,
      %get3A_335 = arith.constant 16 : i32
      %get3A_336 = arith.index_cast %get3A_335 : i32 to index
      %get3A_337 = arith.index_cast %mul3A_169 : i32 to index
      %get3A_338 = tpu.vector_load %arg13[%get3A_336, %get3A_337] {strides = array<i32>} : memref<64x512xf32, #tpu.memory_space<vmem>>, vector<16xf32>,
      %mul3A_339 = arith.mulf %get3A_334, %get3A_338 : vector<16xf32>
      %add3A_340 = arith.addf %add3A_330, %mul3A_339 : vector<16xf32>
      %get3A_341 = arith.constant 17 : i32
      %get3A_342 = arith.index_cast %get3A_341 : i32 to index
      %get3A_343 = arith.index_cast %mul3A_169 : i32 to index
      %get3A_344 = tpu.vector_load %arg12[%get3A_342, %get3A_343] {strides = array<i32>} : memref<64x512xf32, #tpu.memory_space<vmem>>, vector<16xf32>,
      %get3A_345 = arith.constant 17 : i32
      %get3A_346 = arith.index_cast %get3A_345 : i32 to index
      %get3A_347 = arith.index_cast %mul3A_169 : i32 to index
      %get3A_348 = tpu.vector_load %arg13[%get3A_346, %get3A_347] {strides = array<i32>} : memref<64x512xf32, #tpu.memory_space<vmem>>, vector<16xf32>,
      %mul3A_349 = arith.mulf %get3A_344, %get3A_348 : vector<16xf32>
      %add3A_350 = arith.addf %add3A_340, %mul3A_349 : vector<16xf32>
      %get3A_351 = arith.constant 18 : i32
      %get3A_352 = arith.index_cast %get3A_351 : i32 to index
      %get3A_353 = arith.index_cast %mul3A_169 : i32 to index
      %get3A_354 = tpu.vector_load %arg12[%get3A_352, %get3A_353] {strides = array<i32>} : memref<64x512xf32, #tpu.memory_space<vmem>>, vector<16xf32>,
      %get3A_355 = arith.constant 18 : i32
      %get3A_356 = arith.index_cast %get3A_355 : i32 to index
      %get3A_357 = arith.index_cast %mul3A_169 : i32 to index
      %get3A_358 = tpu.vector_load %arg13[%get3A_356, %get3A_357] {strides = array<i32>} : memref<64x512xf32, #tpu.memory_space<vmem>>, vector<16xf32>,
      %mul3A_359 = arith.mulf %get3A_354, %get3A_358 : vector<16xf32>
      %add3A_360 = arith.addf %add3A_350, %mul3A_359 : vector<16xf32>
      %get3A_361 = arith.constant 19 : i32
      %get3A_362 = arith.index_cast %get3A_361 : i32 to index
      %get3A_363 = arith.index_cast %mul3A_169 : i32 to index
      %get3A_364 = tpu.vector_load %arg12[%get3A_362, %get3A_363] {strides = array<i32>} : memref<64x512xf32, #tpu.memory_space<vmem>>, vector<16xf32>,
      %get3A_365 = arith.constant 19 : i32
      %get3A_366 = arith.index_cast %get3A_365 : i32 to index
      %get3A_367 = arith.index_cast %mul3A_169 : i32 to index
      %get3A_368 = tpu.vector_load %arg13[%get3A_366, %get3A_367] {strides = array<i32>} : memref<64x512xf32, #tpu.memory_space<vmem>>, vector<16xf32>,
      %mul3A_369 = arith.mulf %get3A_364, %get3A_368 : vector<16xf32>
      %add3A_370 = arith.addf %add3A_360, %mul3A_369 : vector<16xf32>
      %get3A_371 = arith.constant 20 : i32
      %get3A_372 = arith.index_cast %get3A_371 : i32 to index
      %get3A_373 = arith.index_cast %mul3A_169 : i32 to index
      %get3A_374 = tpu.vector_load %arg12[%get3A_372, %get3A_373] {strides = array<i32>} : memref<64x512xf32, #tpu.memory_space<vmem>>, vector<16xf32>,
      %get3A_375 = arith.constant 20 : i32
      %get3A_376 = arith.index_cast %get3A_375 : i32 to index
      %get3A_377 = arith.index_cast %mul3A_169 : i32 to index
      %get3A_378 = tpu.vector_load %arg13[%get3A_376, %get3A_377] {strides = array<i32>} : memref<64x512xf32, #tpu.memory_space<vmem>>, vector<16xf32>,
      %mul3A_379 = arith.mulf %get3A_374, %get3A_378 : vector<16xf32>
      %add3A_380 = arith.addf %add3A_370, %mul3A_379 : vector<16xf32>
      %get3A_381 = arith.constant 21 : i32
      %get3A_382 = arith.index_cast %get3A_381 : i32 to index
      %get3A_383 = arith.index_cast %mul3A_169 : i32 to index
      %get3A_384 = tpu.vector_load %arg12[%get3A_382, %get3A_383] {strides = array<i32>} : memref<64x512xf32, #tpu.memory_space<vmem>>, vector<16xf32>,
      %get3A_385 = arith.constant 21 : i32
      %get3A_386 = arith.index_cast %get3A_385 : i32 to index
      %get3A_387 = arith.index_cast %mul3A_169 : i32 to index
      %get3A_388 = tpu.vector_load %arg13[%get3A_386, %get3A_387] {strides = array<i32>} : memref<64x512xf32, #tpu.memory_space<vmem>>, vector<16xf32>,
      %mul3A_389 = arith.mulf %get3A_384, %get3A_388 : vector<16xf32>
      %add3A_390 = arith.addf %add3A_380, %mul3A_389 : vector<16xf32>
      %get3A_391 = arith.constant 22 : i32
      %get3A_392 = arith.index_cast %get3A_391 : i32 to index
      %get3A_393 = arith.index_cast %mul3A_169 : i32 to index
      %get3A_394 = tpu.vector_load %arg12[%get3A_392, %get3A_393] {strides = array<i32>} : memref<64x512xf32, #tpu.memory_space<vmem>>, vector<16xf32>,
      %get3A_395 = arith.constant 22 : i32
      %get3A_396 = arith.index_cast %get3A_395 : i32 to index
      %get3A_397 = arith.index_cast %mul3A_169 : i32 to index
      %get3A_398 = tpu.vector_load %arg13[%get3A_396, %get3A_397] {strides = array<i32>} : memref<64x512xf32, #tpu.memory_space<vmem>>, vector<16xf32>,
      %mul3A_399 = arith.mulf %get3A_394, %get3A_398 : vector<16xf32>
      %add3A_400 = arith.addf %add3A_390, %mul3A_399 : vector<16xf32>
      %get3A_401 = arith.constant 23 : i32
      %get3A_402 = arith.index_cast %get3A_401 : i32 to index
      %get3A_403 = arith.index_cast %mul3A_169 : i32 to index
      %get3A_404 = tpu.vector_load %arg12[%get3A_402, %get3A_403] {strides = array<i32>} : memref<64x512xf32, #tpu.memory_space<vmem>>, vector<16xf32>,
      %get3A_405 = arith.constant 23 : i32
      %get3A_406 = arith.index_cast %get3A_405 : i32 to index
      %get3A_407 = arith.index_cast %mul3A_169 : i32 to index
      %get3A_408 = tpu.vector_load %arg13[%get3A_406, %get3A_407] {strides = array<i32>} : memref<64x512xf32, #tpu.memory_space<vmem>>, vector<16xf32>,
      %mul3A_409 = arith.mulf %get3A_404, %get3A_408 : vector<16xf32>
      %add3A_410 = arith.addf %add3A_400, %mul3A_409 : vector<16xf32>
      %get3A_411 = arith.constant 24 : i32
      %get3A_412 = arith.index_cast %get3A_411 : i32 to index
      %get3A_413 = arith.index_cast %mul3A_169 : i32 to index
      %get3A_414 = tpu.vector_load %arg12[%get3A_412, %get3A_413] {strides = array<i32>} : memref<64x512xf32, #tpu.memory_space<vmem>>, vector<16xf32>,
      %get3A_415 = arith.constant 24 : i32
      %get3A_416 = arith.index_cast %get3A_415 : i32 to index
      %get3A_417 = arith.index_cast %mul3A_169 : i32 to index
      %get3A_418 = tpu.vector_load %arg13[%get3A_416, %get3A_417] {strides = array<i32>} : memref<64x512xf32, #tpu.memory_space<vmem>>, vector<16xf32>,
      %mul3A_419 = arith.mulf %get3A_414, %get3A_418 : vector<16xf32>
      %add3A_420 = arith.addf %add3A_410, %mul3A_419 : vector<16xf32>
      %get3A_421 = arith.constant 25 : i32
      %get3A_422 = arith.index_cast %get3A_421 : i32 to index
      %get3A_423 = arith.index_cast %mul3A_169 : i32 to index
      %get3A_424 = tpu.vector_load %arg12[%get3A_422, %get3A_423] {strides = array<i32>} : memref<64x512xf32, #tpu.memory_space<vmem>>, vector<16xf32>,
      %get3A_425 = arith.constant 25 : i32
      %get3A_426 = arith.index_cast %get3A_425 : i32 to index
      %get3A_427 = arith.index_cast %mul3A_169 : i32 to index
      %get3A_428 = tpu.vector_load %arg13[%get3A_426, %get3A_427] {strides = array<i32>} : memref<64x512xf32, #tpu.memory_space<vmem>>, vector<16xf32>,
      %mul3A_429 = arith.mulf %get3A_424, %get3A_428 : vector<16xf32>
      %add3A_430 = arith.addf %add3A_420, %mul3A_429 : vector<16xf32>
      %get3A_431 = arith.constant 26 : i32
      %get3A_432 = arith.index_cast %get3A_431 : i32 to index
      %get3A_433 = arith.index_cast %mul3A_169 : i32 to index
      %get3A_434 = tpu.vector_load %arg12[%get3A_432, %get3A_433] {strides = array<i32>} : memref<64x512xf32, #tpu.memory_space<vmem>>, vector<16xf32>,
      %get3A_435 = arith.constant 26 : i32
      %get3A_436 = arith.index_cast %get3A_435 : i32 to index
      %get3A_437 = arith.index_cast %mul3A_169 : i32 to index
      %get3A_438 = tpu.vector_load %arg13[%get3A_436, %get3A_437] {strides = array<i32>} : memref<64x512xf32, #tpu.memory_space<vmem>>, vector<16xf32>,
      %mul3A_439 = arith.mulf %get3A_434, %get3A_438 : vector<16xf32>
      %add3A_440 = arith.addf %add3A_430, %mul3A_439 : vector<16xf32>
      %get3A_441 = arith.constant 27 : i32
      %get3A_442 = arith.index_cast %get3A_441 : i32 to index
      %get3A_443 = arith.index_cast %mul3A_169 : i32 to index
      %get3A_444 = tpu.vector_load %arg12[%get3A_442, %get3A_443] {strides = array<i32>} : memref<64x512xf32, #tpu.memory_space<vmem>>, vector<16xf32>,
      %get3A_445 = arith.constant 27 : i32
      %get3A_446 = arith.index_cast %get3A_445 : i32 to index
      %get3A_447 = arith.index_cast %mul3A_169 : i32 to index
      %get3A_448 = tpu.vector_load %arg13[%get3A_446, %get3A_447] {strides = array<i32>} : memref<64x512xf32, #tpu.memory_space<vmem>>, vector<16xf32>,
      %mul3A_449 = arith.mulf %get3A_444, %get3A_448 : vector<16xf32>
      %add3A_450 = arith.addf %add3A_440, %mul3A_449 : vector<16xf32>
      %get3A_451 = arith.constant 28 : i32
      %get3A_452 = arith.index_cast %get3A_451 : i32 to index
      %get3A_453 = arith.index_cast %mul3A_169 : i32 to index
      %get3A_454 = tpu.vector_load %arg12[%get3A_452, %get3A_453] {strides = array<i32>} : memref<64x512xf32, #tpu.memory_space<vmem>>, vector<16xf32>,
      %get3A_455 = arith.constant 28 : i32
      %get3A_456 = arith.index_cast %get3A_455 : i32 to index
      %get3A_457 = arith.index_cast %mul3A_169 : i32 to index
      %get3A_458 = tpu.vector_load %arg13[%get3A_456, %get3A_457] {strides = array<i32>} : memref<64x512xf32, #tpu.memory_space<vmem>>, vector<16xf32>,
      %mul3A_459 = arith.mulf %get3A_454, %get3A_458 : vector<16xf32>
      %add3A_460 = arith.addf %add3A_450, %mul3A_459 : vector<16xf32>
      %get3A_461 = arith.constant 29 : i32
      %get3A_462 = arith.index_cast %get3A_461 : i32 to index
      %get3A_463 = arith.index_cast %mul3A_169 : i32 to index
      %get3A_464 = tpu.vector_load %arg12[%get3A_462, %get3A_463] {strides = array<i32>} : memref<64x512xf32, #tpu.memory_space<vmem>>, vector<16xf32>,
      %get3A_465 = arith.constant 29 : i32
      %get3A_466 = arith.index_cast %get3A_465 : i32 to index
      %get3A_467 = arith.index_cast %mul3A_169 : i32 to index
      %get3A_468 = tpu.vector_load %arg13[%get3A_466, %get3A_467] {strides = array<i32>} : memref<64x512xf32, #tpu.memory_space<vmem>>, vector<16xf32>,
      %mul3A_469 = arith.mulf %get3A_464, %get3A_468 : vector<16xf32>
      %add3A_470 = arith.addf %add3A_460, %mul3A_469 : vector<16xf32>
      %get3A_471 = arith.constant 30 : i32
      %get3A_472 = arith.index_cast %get3A_471 : i32 to index
      %get3A_473 = arith.index_cast %mul3A_169 : i32 to index
      %get3A_474 = tpu.vector_load %arg12[%get3A_472, %get3A_473] {strides = array<i32>} : memref<64x512xf32, #tpu.memory_space<vmem>>, vector<16xf32>,
      %get3A_475 = arith.constant 30 : i32
      %get3A_476 = arith.index_cast %get3A_475 : i32 to index
      %get3A_477 = arith.index_cast %mul3A_169 : i32 to index
      %get3A_478 = tpu.vector_load %arg13[%get3A_476, %get3A_477] {strides = array<i32>} : memref<64x512xf32, #tpu.memory_space<vmem>>, vector<16xf32>,
      %mul3A_479 = arith.mulf %get3A_474, %get3A_478 : vector<16xf32>
      %add3A_480 = arith.addf %add3A_470, %mul3A_479 : vector<16xf32>
      %get3A_481 = arith.constant 31 : i32
      %get3A_482 = arith.index_cast %get3A_481 : i32 to index
      %get3A_483 = arith.index_cast %mul3A_169 : i32 to index
      %get3A_484 = tpu.vector_load %arg12[%get3A_482, %get3A_483] {strides = array<i32>} : memref<64x512xf32, #tpu.memory_space<vmem>>, vector<16xf32>,
      %get3A_485 = arith.constant 31 : i32
      %get3A_486 = arith.index_cast %get3A_485 : i32 to index
      %get3A_487 = arith.index_cast %mul3A_169 : i32 to index
      %get3A_488 = tpu.vector_load %arg13[%get3A_486, %get3A_487] {strides = array<i32>} : memref<64x512xf32, #tpu.memory_space<vmem>>, vector<16xf32>,
      %mul3A_489 = arith.mulf %get3A_484, %get3A_488 : vector<16xf32>
      %add3A_490 = arith.addf %add3A_480, %mul3A_489 : vector<16xf32>
      %get3A_491 = arith.constant 32 : i32
      %get3A_492 = arith.index_cast %get3A_491 : i32 to index
      %get3A_493 = arith.index_cast %mul3A_169 : i32 to index
      %get3A_494 = tpu.vector_load %arg12[%get3A_492, %get3A_493] {strides = array<i32>} : memref<64x512xf32, #tpu.memory_space<vmem>>, vector<16xf32>,
      %get3A_495 = arith.constant 32 : i32
      %get3A_496 = arith.index_cast %get3A_495 : i32 to index
      %get3A_497 = arith.index_cast %mul3A_169 : i32 to index
      %get3A_498 = tpu.vector_load %arg13[%get3A_496, %get3A_497] {strides = array<i32>} : memref<64x512xf32, #tpu.memory_space<vmem>>, vector<16xf32>,
      %mul3A_499 = arith.mulf %get3A_494, %get3A_498 : vector<16xf32>
      %add3A_500 = arith.addf %add3A_490, %mul3A_499 : vector<16xf32>
      %get3A_501 = arith.constant 33 : i32
      %get3A_502 = arith.index_cast %get3A_501 : i32 to index
      %get3A_503 = arith.index_cast %mul3A_169 : i32 to index
      %get3A_504 = tpu.vector_load %arg12[%get3A_502, %get3A_503] {strides = array<i32>} : memref<64x512xf32, #tpu.memory_space<vmem>>, vector<16xf32>,
      %get3A_505 = arith.constant 33 : i32
      %get3A_506 = arith.index_cast %get3A_505 : i32 to index
      %get3A_507 = arith.index_cast %mul3A_169 : i32 to index
      %get3A_508 = tpu.vector_load %arg13[%get3A_506, %get3A_507] {strides = array<i32>} : memref<64x512xf32, #tpu.memory_space<vmem>>, vector<16xf32>,
      %mul3A_509 = arith.mulf %get3A_504, %get3A_508 : vector<16xf32>
      %add3A_510 = arith.addf %add3A_500, %mul3A_509 : vector<16xf32>
      %get3A_511 = arith.constant 34 : i32
      %get3A_512 = arith.index_cast %get3A_511 : i32 to index
      %get3A_513 = arith.index_cast %mul3A_169 : i32 to index
      %get3A_514 = tpu.vector_load %arg12[%get3A_512, %get3A_513] {strides = array<i32>} : memref<64x512xf32, #tpu.memory_space<vmem>>, vector<16xf32>,
      %get3A_515 = arith.constant 34 : i32
      %get3A_516 = arith.index_cast %get3A_515 : i32 to index
      %get3A_517 = arith.index_cast %mul3A_169 : i32 to index
      %get3A_518 = tpu.vector_load %arg13[%get3A_516, %get3A_517] {strides = array<i32>} : memref<64x512xf32, #tpu.memory_space<vmem>>, vector<16xf32>,
      %mul3A_519 = arith.mulf %get3A_514, %get3A_518 : vector<16xf32>
      %add3A_520 = arith.addf %add3A_510, %mul3A_519 : vector<16xf32>
      %get3A_521 = arith.constant 35 : i32
      %get3A_522 = arith.index_cast %get3A_521 : i32 to index
      %get3A_523 = arith.index_cast %mul3A_169 : i32 to index
      %get3A_524 = tpu.vector_load %arg12[%get3A_522, %get3A_523] {strides = array<i32>} : memref<64x512xf32, #tpu.memory_space<vmem>>, vector<16xf32>,
      %get3A_525 = arith.constant 35 : i32
      %get3A_526 = arith.index_cast %get3A_525 : i32 to index
      %get3A_527 = arith.index_cast %mul3A_169 : i32 to index
      %get3A_528 = tpu.vector_load %arg13[%get3A_526, %get3A_527] {strides = array<i32>} : memref<64x512xf32, #tpu.memory_space<vmem>>, vector<16xf32>,
      %mul3A_529 = arith.mulf %get3A_524, %get3A_528 : vector<16xf32>
      %add3A_530 = arith.addf %add3A_520, %mul3A_529 : vector<16xf32>
      %get3A_531 = arith.constant 36 : i32
      %get3A_532 = arith.index_cast %get3A_531 : i32 to index
      %get3A_533 = arith.index_cast %mul3A_169 : i32 to index
      %get3A_534 = tpu.vector_load %arg12[%get3A_532, %get3A_533] {strides = array<i32>} : memref<64x512xf32, #tpu.memory_space<vmem>>, vector<16xf32>,
      %get3A_535 = arith.constant 36 : i32
      %get3A_536 = arith.index_cast %get3A_535 : i32 to index
      %get3A_537 = arith.index_cast %mul3A_169 : i32 to index
      %get3A_538 = tpu.vector_load %arg13[%get3A_536, %get3A_537] {strides = array<i32>} : memref<64x512xf32, #tpu.memory_space<vmem>>, vector<16xf32>,
      %mul3A_539 = arith.mulf %get3A_534, %get3A_538 : vector<16xf32>
      %add3A_540 = arith.addf %add3A_530, %mul3A_539 : vector<16xf32>
      %get3A_541 = arith.constant 37 : i32
      %get3A_542 = arith.index_cast %get3A_541 : i32 to index
      %get3A_543 = arith.index_cast %mul3A_169 : i32 to index
      %get3A_544 = tpu.vector_load %arg12[%get3A_542, %get3A_543] {strides = array<i32>} : memref<64x512xf32, #tpu.memory_space<vmem>>, vector<16xf32>,
      %get3A_545 = arith.constant 37 : i32
      %get3A_546 = arith.index_cast %get3A_545 : i32 to index
      %get3A_547 = arith.index_cast %mul3A_169 : i32 to index
      %get3A_548 = tpu.vector_load %arg13[%get3A_546, %get3A_547] {strides = array<i32>} : memref<64x512xf32, #tpu.memory_space<vmem>>, vector<16xf32>,
      %mul3A_549 = arith.mulf %get3A_544, %get3A_548 : vector<16xf32>
      %add3A_550 = arith.addf %add3A_540, %mul3A_549 : vector<16xf32>
      %get3A_551 = arith.constant 38 : i32
      %get3A_552 = arith.index_cast %get3A_551 : i32 to index
      %get3A_553 = arith.index_cast %mul3A_169 : i32 to index
      %get3A_554 = tpu.vector_load %arg12[%get3A_552, %get3A_553] {strides = array<i32>} : memref<64x512xf32, #tpu.memory_space<vmem>>, vector<16xf32>,
      %get3A_555 = arith.constant 38 : i32
      %get3A_556 = arith.index_cast %get3A_555 : i32 to index
      %get3A_557 = arith.index_cast %mul3A_169 : i32 to index
      %get3A_558 = tpu.vector_load %arg13[%get3A_556, %get3A_557] {strides = array<i32>} : memref<64x512xf32, #tpu.memory_space<vmem>>, vector<16xf32>,
      %mul3A_559 = arith.mulf %get3A_554, %get3A_558 : vector<16xf32>
      %add3A_560 = arith.addf %add3A_550, %mul3A_559 : vector<16xf32>
      %get3A_561 = arith.constant 39 : i32
      %get3A_562 = arith.index_cast %get3A_561 : i32 to index
      %get3A_563 = arith.index_cast %mul3A_169 : i32 to index
      %get3A_564 = tpu.vector_load %arg12[%get3A_562, %get3A_563] {strides = array<i32>} : memref<64x512xf32, #tpu.memory_space<vmem>>, vector<16xf32>,
      %get3A_565 = arith.constant 39 : i32
      %get3A_566 = arith.index_cast %get3A_565 : i32 to index
      %get3A_567 = arith.index_cast %mul3A_169 : i32 to index
      %get3A_568 = tpu.vector_load %arg13[%get3A_566, %get3A_567] {strides = array<i32>} : memref<64x512xf32, #tpu.memory_space<vmem>>, vector<16xf32>,
      %mul3A_569 = arith.mulf %get3A_564, %get3A_568 : vector<16xf32>
      %add3A_570 = arith.addf %add3A_560, %mul3A_569 : vector<16xf32>
      %get3A_571 = arith.constant 40 : i32
      %get3A_572 = arith.index_cast %get3A_571 : i32 to index
      %get3A_573 = arith.index_cast %mul3A_169 : i32 to index
      %get3A_574 = tpu.vector_load %arg12[%get3A_572, %get3A_573] {strides = array<i32>} : memref<64x512xf32, #tpu.memory_space<vmem>>, vector<16xf32>,
      %get3A_575 = arith.constant 40 : i32
      %get3A_576 = arith.index_cast %get3A_575 : i32 to index
      %get3A_577 = arith.index_cast %mul3A_169 : i32 to index
      %get3A_578 = tpu.vector_load %arg13[%get3A_576, %get3A_577] {strides = array<i32>} : memref<64x512xf32, #tpu.memory_space<vmem>>, vector<16xf32>,
      %mul3A_579 = arith.mulf %get3A_574, %get3A_578 : vector<16xf32>
      %add3A_580 = arith.addf %add3A_570, %mul3A_579 : vector<16xf32>
      %get3A_581 = arith.constant 41 : i32
      %get3A_582 = arith.index_cast %get3A_581 : i32 to index
      %get3A_583 = arith.index_cast %mul3A_169 : i32 to index
      %get3A_584 = tpu.vector_load %arg12[%get3A_582, %get3A_583] {strides = array<i32>} : memref<64x512xf32, #tpu.memory_space<vmem>>, vector<16xf32>,
      %get3A_585 = arith.constant 41 : i32
      %get3A_586 = arith.index_cast %get3A_585 : i32 to index
      %get3A_587 = arith.index_cast %mul3A_169 : i32 to index
      %get3A_588 = tpu.vector_load %arg13[%get3A_586, %get3A_587] {strides = array<i32>} : memref<64x512xf32, #tpu.memory_space<vmem>>, vector<16xf32>,
      %mul3A_589 = arith.mulf %get3A_584, %get3A_588 : vector<16xf32>
      %add3A_590 = arith.addf %add3A_580, %mul3A_589 : vector<16xf32>
      %get3A_591 = arith.constant 42 : i32
      %get3A_592 = arith.index_cast %get3A_591 : i32 to index
      %get3A_593 = arith.index_cast %mul3A_169 : i32 to index
      %get3A_594 = tpu.vector_load %arg12[%get3A_592, %get3A_593] {strides = array<i32>} : memref<64x512xf32, #tpu.memory_space<vmem>>, vector<16xf32>,
      %get3A_595 = arith.constant 42 : i32
      %get3A_596 = arith.index_cast %get3A_595 : i32 to index
      %get3A_597 = arith.index_cast %mul3A_169 : i32 to index
      %get3A_598 = tpu.vector_load %arg13[%get3A_596, %get3A_597] {strides = array<i32>} : memref<64x512xf32, #tpu.memory_space<vmem>>, vector<16xf32>,
      %mul3A_599 = arith.mulf %get3A_594, %get3A_598 : vector<16xf32>
      %add3A_600 = arith.addf %add3A_590, %mul3A_599 : vector<16xf32>
      %get3A_601 = arith.constant 43 : i32
      %get3A_602 = arith.index_cast %get3A_601 : i32 to index
      %get3A_603 = arith.index_cast %mul3A_169 : i32 to index
      %get3A_604 = tpu.vector_load %arg12[%get3A_602, %get3A_603] {strides = array<i32>} : memref<64x512xf32, #tpu.memory_space<vmem>>, vector<16xf32>,
      %get3A_605 = arith.constant 43 : i32
      %get3A_606 = arith.index_cast %get3A_605 : i32 to index
      %get3A_607 = arith.index_cast %mul3A_169 : i32 to index
      %get3A_608 = tpu.vector_load %arg13[%get3A_606, %get3A_607] {strides = array<i32>} : memref<64x512xf32, #tpu.memory_space<vmem>>, vector<16xf32>,
      %mul3A_609 = arith.mulf %get3A_604, %get3A_608 : vector<16xf32>
      %add3A_610 = arith.addf %add3A_600, %mul3A_609 : vector<16xf32>
      %get3A_611 = arith.constant 44 : i32
      %get3A_612 = arith.index_cast %get3A_611 : i32 to index
      %get3A_613 = arith.index_cast %mul3A_169 : i32 to index
      %get3A_614 = tpu.vector_load %arg12[%get3A_612, %get3A_613] {strides = array<i32>} : memref<64x512xf32, #tpu.memory_space<vmem>>, vector<16xf32>,
      %get3A_615 = arith.constant 44 : i32
      %get3A_616 = arith.index_cast %get3A_615 : i32 to index
      %get3A_617 = arith.index_cast %mul3A_169 : i32 to index
      %get3A_618 = tpu.vector_load %arg13[%get3A_616, %get3A_617] {strides = array<i32>} : memref<64x512xf32, #tpu.memory_space<vmem>>, vector<16xf32>,
      %mul3A_619 = arith.mulf %get3A_614, %get3A_618 : vector<16xf32>
      %add3A_620 = arith.addf %add3A_610, %mul3A_619 : vector<16xf32>
      %get3A_621 = arith.constant 45 : i32
      %get3A_622 = arith.index_cast %get3A_621 : i32 to index
      %get3A_623 = arith.index_cast %mul3A_169 : i32 to index
      %get3A_624 = tpu.vector_load %arg12[%get3A_622, %get3A_623] {strides = array<i32>} : memref<64x512xf32, #tpu.memory_space<vmem>>, vector<16xf32>,
      %get3A_625 = arith.constant 45 : i32
      %get3A_626 = arith.index_cast %get3A_625 : i32 to index
      %get3A_627 = arith.index_cast %mul3A_169 : i32 to index
      %get3A_628 = tpu.vector_load %arg13[%get3A_626, %get3A_627] {strides = array<i32>} : memref<64x512xf32, #tpu.memory_space<vmem>>, vector<16xf32>,
      %mul3A_629 = arith.mulf %get3A_624, %get3A_628 : vector<16xf32>
      %add3A_630 = arith.addf %add3A_620, %mul3A_629 : vector<16xf32>
      %get3A_631 = arith.constant 46 : i32
      %get3A_632 = arith.index_cast %get3A_631 : i32 to index
      %get3A_633 = arith.index_cast %mul3A_169 : i32 to index
      %get3A_634 = tpu.vector_load %arg12[%get3A_632, %get3A_633] {strides = array<i32>} : memref<64x512xf32, #tpu.memory_space<vmem>>, vector<16xf32>,
      %get3A_635 = arith.constant 46 : i32
      %get3A_636 = arith.index_cast %get3A_635 : i32 to index
      %get3A_637 = arith.index_cast %mul3A_169 : i32 to index
      %get3A_638 = tpu.vector_load %arg13[%get3A_636, %get3A_637] {strides = array<i32>} : memref<64x512xf32, #tpu.memory_space<vmem>>, vector<16xf32>,
      %mul3A_639 = arith.mulf %get3A_634, %get3A_638 : vector<16xf32>
      %add3A_640 = arith.addf %add3A_630, %mul3A_639 : vector<16xf32>
      %get3A_641 = arith.constant 47 : i32
      %get3A_642 = arith.index_cast %get3A_641 : i32 to index
      %get3A_643 = arith.index_cast %mul3A_169 : i32 to index
      %get3A_644 = tpu.vector_load %arg12[%get3A_642, %get3A_643] {strides = array<i32>} : memref<64x512xf32, #tpu.memory_space<vmem>>, vector<16xf32>,
      %get3A_645 = arith.constant 47 : i32
      %get3A_646 = arith.index_cast %get3A_645 : i32 to index
      %get3A_647 = arith.index_cast %mul3A_169 : i32 to index
      %get3A_648 = tpu.vector_load %arg13[%get3A_646, %get3A_647] {strides = array<i32>} : memref<64x512xf32, #tpu.memory_space<vmem>>, vector<16xf32>,
      %mul3A_649 = arith.mulf %get3A_644, %get3A_648 : vector<16xf32>
      %add3A_650 = arith.addf %add3A_640, %mul3A_649 : vector<16xf32>
      %get3A_651 = arith.constant 48 : i32
      %get3A_652 = arith.index_cast %get3A_651 : i32 to index
      %get3A_653 = arith.index_cast %mul3A_169 : i32 to index
      %get3A_654 = tpu.vector_load %arg12[%get3A_652, %get3A_653] {strides = array<i32>} : memref<64x512xf32, #tpu.memory_space<vmem>>, vector<16xf32>,
      %get3A_655 = arith.constant 48 : i32
      %get3A_656 = arith.index_cast %get3A_655 : i32 to index
      %get3A_657 = arith.index_cast %mul3A_169 : i32 to index
      %get3A_658 = tpu.vector_load %arg13[%get3A_656, %get3A_657] {strides = array<i32>} : memref<64x512xf32, #tpu.memory_space<vmem>>, vector<16xf32>,
      %mul3A_659 = arith.mulf %get3A_654, %get3A_658 : vector<16xf32>
      %add3A_660 = arith.addf %add3A_650, %mul3A_659 : vector<16xf32>
      %get3A_661 = arith.constant 49 : i32
      %get3A_662 = arith.index_cast %get3A_661 : i32 to index
      %get3A_663 = arith.index_cast %mul3A_169 : i32 to index
      %get3A_664 = tpu.vector_load %arg12[%get3A_662, %get3A_663] {strides = array<i32>} : memref<64x512xf32, #tpu.memory_space<vmem>>, vector<16xf32>,
      %get3A_665 = arith.constant 49 : i32
      %get3A_666 = arith.index_cast %get3A_665 : i32 to index
      %get3A_667 = arith.index_cast %mul3A_169 : i32 to index
      %get3A_668 = tpu.vector_load %arg13[%get3A_666, %get3A_667] {strides = array<i32>} : memref<64x512xf32, #tpu.memory_space<vmem>>, vector<16xf32>,
      %mul3A_669 = arith.mulf %get3A_664, %get3A_668 : vector<16xf32>
      %add3A_670 = arith.addf %add3A_660, %mul3A_669 : vector<16xf32>
      %get3A_671 = arith.constant 50 : i32
      %get3A_672 = arith.index_cast %get3A_671 : i32 to index
      %get3A_673 = arith.index_cast %mul3A_169 : i32 to index
      %get3A_674 = tpu.vector_load %arg12[%get3A_672, %get3A_673] {strides = array<i32>} : memref<64x512xf32, #tpu.memory_space<vmem>>, vector<16xf32>,
      %get3A_675 = arith.constant 50 : i32
      %get3A_676 = arith.index_cast %get3A_675 : i32 to index
      %get3A_677 = arith.index_cast %mul3A_169 : i32 to index
      %get3A_678 = tpu.vector_load %arg13[%get3A_676, %get3A_677] {strides = array<i32>} : memref<64x512xf32, #tpu.memory_space<vmem>>, vector<16xf32>,
      %mul3A_679 = arith.mulf %get3A_674, %get3A_678 : vector<16xf32>
      %add3A_680 = arith.addf %add3A_670, %mul3A_679 : vector<16xf32>
      %get3A_681 = arith.constant 51 : i32
      %get3A_682 = arith.index_cast %get3A_681 : i32 to index
      %get3A_683 = arith.index_cast %mul3A_169 : i32 to index
      %get3A_684 = tpu.vector_load %arg12[%get3A_682, %get3A_683] {strides = array<i32>} : memref<64x512xf32, #tpu.memory_space<vmem>>, vector<16xf32>,
      %get3A_685 = arith.constant 51 : i32
      %get3A_686 = arith.index_cast %get3A_685 : i32 to index
      %get3A_687 = arith.index_cast %mul3A_169 : i32 to index
      %get3A_688 = tpu.vector_load %arg13[%get3A_686, %get3A_687] {strides = array<i32>} : memref<64x512xf32, #tpu.memory_space<vmem>>, vector<16xf32>,
      %mul3A_689 = arith.mulf %get3A_684, %get3A_688 : vector<16xf32>
      %add3A_690 = arith.addf %add3A_680, %mul3A_689 : vector<16xf32>
      %get3A_691 = arith.constant 52 : i32
      %get3A_692 = arith.index_cast %get3A_691 : i32 to index
      %get3A_693 = arith.index_cast %mul3A_169 : i32 to index
      %get3A_694 = tpu.vector_load %arg12[%get3A_692, %get3A_693] {strides = array<i32>} : memref<64x512xf32, #tpu.memory_space<vmem>>, vector<16xf32>,
      %get3A_695 = arith.constant 52 : i32
      %get3A_696 = arith.index_cast %get3A_695 : i32 to index
      %get3A_697 = arith.index_cast %mul3A_169 : i32 to index
      %get3A_698 = tpu.vector_load %arg13[%get3A_696, %get3A_697] {strides = array<i32>} : memref<64x512xf32, #tpu.memory_space<vmem>>, vector<16xf32>,
      %mul3A_699 = arith.mulf %get3A_694, %get3A_698 : vector<16xf32>
      %add3A_700 = arith.addf %add3A_690, %mul3A_699 : vector<16xf32>
      %get3A_701 = arith.constant 53 : i32
      %get3A_702 = arith.index_cast %get3A_701 : i32 to index
      %get3A_703 = arith.index_cast %mul3A_169 : i32 to index
      %get3A_704 = tpu.vector_load %arg12[%get3A_702, %get3A_703] {strides = array<i32>} : memref<64x512xf32, #tpu.memory_space<vmem>>, vector<16xf32>,
      %get3A_705 = arith.constant 53 : i32
      %get3A_706 = arith.index_cast %get3A_705 : i32 to index
      %get3A_707 = arith.index_cast %mul3A_169 : i32 to index
      %get3A_708 = tpu.vector_load %arg13[%get3A_706, %get3A_707] {strides = array<i32>} : memref<64x512xf32, #tpu.memory_space<vmem>>, vector<16xf32>,
      %mul3A_709 = arith.mulf %get3A_704, %get3A_708 : vector<16xf32>
      %add3A_710 = arith.addf %add3A_700, %mul3A_709 : vector<16xf32>
      %get3A_711 = arith.constant 54 : i32
      %get3A_712 = arith.index_cast %get3A_711 : i32 to index
      %get3A_713 = arith.index_cast %mul3A_169 : i32 to index
      %get3A_714 = tpu.vector_load %arg12[%get3A_712, %get3A_713] {strides = array<i32>} : memref<64x512xf32, #tpu.memory_space<vmem>>, vector<16xf32>,
      %get3A_715 = arith.constant 54 : i32
      %get3A_716 = arith.index_cast %get3A_715 : i32 to index
      %get3A_717 = arith.index_cast %mul3A_169 : i32 to index
      %get3A_718 = tpu.vector_load %arg13[%get3A_716, %get3A_717] {strides = array<i32>} : memref<64x512xf32, #tpu.memory_space<vmem>>, vector<16xf32>,
      %mul3A_719 = arith.mulf %get3A_714, %get3A_718 : vector<16xf32>
      %add3A_720 = arith.addf %add3A_710, %mul3A_719 : vector<16xf32>
      %get3A_721 = arith.constant 55 : i32
      %get3A_722 = arith.index_cast %get3A_721 : i32 to index
      %get3A_723 = arith.index_cast %mul3A_169 : i32 to index
      %get3A_724 = tpu.vector_load %arg12[%get3A_722, %get3A_723] {strides = array<i32>} : memref<64x512xf32, #tpu.memory_space<vmem>>, vector<16xf32>,
      %get3A_725 = arith.constant 55 : i32
      %get3A_726 = arith.index_cast %get3A_725 : i32 to index
      %get3A_727 = arith.index_cast %mul3A_169 : i32 to index
      %get3A_728 = tpu.vector_load %arg13[%get3A_726, %get3A_727] {strides = array<i32>} : memref<64x512xf32, #tpu.memory_space<vmem>>, vector<16xf32>,
      %mul3A_729 = arith.mulf %get3A_724, %get3A_728 : vector<16xf32>
      %add3A_730 = arith.addf %add3A_720, %mul3A_729 : vector<16xf32>
      %get3A_731 = arith.constant 56 : i32
      %get3A_732 = arith.index_cast %get3A_731 : i32 to index
      %get3A_733 = arith.index_cast %mul3A_169 : i32 to index
      %get3A_734 = tpu.vector_load %arg12[%get3A_732, %get3A_733] {strides = array<i32>} : memref<64x512xf32, #tpu.memory_space<vmem>>, vector<16xf32>,
      %get3A_735 = arith.constant 56 : i32
      %get3A_736 = arith.index_cast %get3A_735 : i32 to index
      %get3A_737 = arith.index_cast %mul3A_169 : i32 to index
      %get3A_738 = tpu.vector_load %arg13[%get3A_736, %get3A_737] {strides = array<i32>} : memref<64x512xf32, #tpu.memory_space<vmem>>, vector<16xf32>,
      %mul3A_739 = arith.mulf %get3A_734, %get3A_738 : vector<16xf32>
      %add3A_740 = arith.addf %add3A_730, %mul3A_739 : vector<16xf32>
      %get3A_741 = arith.constant 57 : i32
      %get3A_742 = arith.index_cast %get3A_741 : i32 to index
      %get3A_743 = arith.index_cast %mul3A_169 : i32 to index
      %get3A_744 = tpu.vector_load %arg12[%get3A_742, %get3A_743] {strides = array<i32>} : memref<64x512xf32, #tpu.memory_space<vmem>>, vector<16xf32>,
      %get3A_745 = arith.constant 57 : i32
      %get3A_746 = arith.index_cast %get3A_745 : i32 to index
      %get3A_747 = arith.index_cast %mul3A_169 : i32 to index
      %get3A_748 = tpu.vector_load %arg13[%get3A_746, %get3A_747] {strides = array<i32>} : memref<64x512xf32, #tpu.memory_space<vmem>>, vector<16xf32>,
      %mul3A_749 = arith.mulf %get3A_744, %get3A_748 : vector<16xf32>
      %add3A_750 = arith.addf %add3A_740, %mul3A_749 : vector<16xf32>
      %get3A_751 = arith.constant 58 : i32
      %get3A_752 = arith.index_cast %get3A_751 : i32 to index
      %get3A_753 = arith.index_cast %mul3A_169 : i32 to index
      %get3A_754 = tpu.vector_load %arg12[%get3A_752, %get3A_753] {strides = array<i32>} : memref<64x512xf32, #tpu.memory_space<vmem>>, vector<16xf32>,
      %get3A_755 = arith.constant 58 : i32
      %get3A_756 = arith.index_cast %get3A_755 : i32 to index
      %get3A_757 = arith.index_cast %mul3A_169 : i32 to index
      %get3A_758 = tpu.vector_load %arg13[%get3A_756, %get3A_757] {strides = array<i32>} : memref<64x512xf32, #tpu.memory_space<vmem>>, vector<16xf32>,
      %mul3A_759 = arith.mulf %get3A_754, %get3A_758 : vector<16xf32>
      %add3A_760 = arith.addf %add3A_750, %mul3A_759 : vector<16xf32>
      %get3A_761 = arith.constant 59 : i32
      %get3A_762 = arith.index_cast %get3A_761 : i32 to index
      %get3A_763 = arith.index_cast %mul3A_169 : i32 to index
      %get3A_764 = tpu.vector_load %arg12[%get3A_762, %get3A_763] {strides = array<i32>} : memref<64x512xf32, #tpu.memory_space<vmem>>, vector<16xf32>,
      %get3A_765 = arith.constant 59 : i32
      %get3A_766 = arith.index_cast %get3A_765 : i32 to index
      %get3A_767 = arith.index_cast %mul3A_169 : i32 to index
      %get3A_768 = tpu.vector_load %arg13[%get3A_766, %get3A_767] {strides = array<i32>} : memref<64x512xf32, #tpu.memory_space<vmem>>, vector<16xf32>,
      %mul3A_769 = arith.mulf %get3A_764, %get3A_768 : vector<16xf32>
      %add3A_770 = arith.addf %add3A_760, %mul3A_769 : vector<16xf32>
      %get3A_771 = arith.constant 60 : i32
      %get3A_772 = arith.index_cast %get3A_771 : i32 to index
      %get3A_773 = arith.index_cast %mul3A_169 : i32 to index
      %get3A_774 = tpu.vector_load %arg12[%get3A_772, %get3A_773] {strides = array<i32>} : memref<64x512xf32, #tpu.memory_space<vmem>>, vector<16xf32>,
      %get3A_775 = arith.constant 60 : i32
      %get3A_776 = arith.index_cast %get3A_775 : i32 to index
      %get3A_777 = arith.index_cast %mul3A_169 : i32 to index
      %get3A_778 = tpu.vector_load %arg13[%get3A_776, %get3A_777] {strides = array<i32>} : memref<64x512xf32, #tpu.memory_space<vmem>>, vector<16xf32>,
      %mul3A_779 = arith.mulf %get3A_774, %get3A_778 : vector<16xf32>
      %add3A_780 = arith.addf %add3A_770, %mul3A_779 : vector<16xf32>
      %get3A_781 = arith.constant 61 : i32
      %get3A_782 = arith.index_cast %get3A_781 : i32 to index
      %get3A_783 = arith.index_cast %mul3A_169 : i32 to index
      %get3A_784 = tpu.vector_load %arg12[%get3A_782, %get3A_783] {strides = array<i32>} : memref<64x512xf32, #tpu.memory_space<vmem>>, vector<16xf32>,
      %get3A_785 = arith.constant 61 : i32
      %get3A_786 = arith.index_cast %get3A_785 : i32 to index
      %get3A_787 = arith.index_cast %mul3A_169 : i32 to index
      %get3A_788 = tpu.vector_load %arg13[%get3A_786, %get3A_787] {strides = array<i32>} : memref<64x512xf32, #tpu.memory_space<vmem>>, vector<16xf32>,
      %mul3A_789 = arith.mulf %get3A_784, %get3A_788 : vector<16xf32>
      %add3A_790 = arith.addf %add3A_780, %mul3A_789 : vector<16xf32>
      %get3A_791 = arith.constant 62 : i32
      %get3A_792 = arith.index_cast %get3A_791 : i32 to index
      %get3A_793 = arith.index_cast %mul3A_169 : i32 to index
      %get3A_794 = tpu.vector_load %arg12[%get3A_792, %get3A_793] {strides = array<i32>} : memref<64x512xf32, #tpu.memory_space<vmem>>, vector<16xf32>,
      %get3A_795 = arith.constant 62 : i32
      %get3A_796 = arith.index_cast %get3A_795 : i32 to index
      %get3A_797 = arith.index_cast %mul3A_169 : i32 to index
      %get3A_798 = tpu.vector_load %arg13[%get3A_796, %get3A_797] {strides = array<i32>} : memref<64x512xf32, #tpu.memory_space<vmem>>, vector<16xf32>,
      %mul3A_799 = arith.mulf %get3A_794, %get3A_798 : vector<16xf32>
      %add3A_800 = arith.addf %add3A_790, %mul3A_799 : vector<16xf32>
      %get3A_801 = arith.constant 63 : i32
      %get3A_802 = arith.index_cast %get3A_801 : i32 to index
      %get3A_803 = arith.index_cast %mul3A_169 : i32 to index
      %get3A_804 = tpu.vector_load %arg12[%get3A_802, %get3A_803] {strides = array<i32>} : memref<64x512xf32, #tpu.memory_space<vmem>>, vector<16xf32>,
      %get3A_805 = arith.constant 63 : i32
      %get3A_806 = arith.index_cast %get3A_805 : i32 to index
      %get3A_807 = arith.index_cast %mul3A_169 : i32 to index
      %get3A_808 = tpu.vector_load %arg13[%get3A_806, %get3A_807] {strides = array<i32>} : memref<64x512xf32, #tpu.memory_space<vmem>>, vector<16xf32>,
      %mul3A_809 = arith.mulf %get3A_804, %get3A_808 : vector<16xf32>
      %add3A_810 = arith.addf %add3A_800, %mul3A_809 : vector<16xf32>
      %get3A_811 = arith.index_cast %mul3A_169 : i32 to index
      %get3A_812 = tpu.vector_load %arg14[%get3A_811] {strides = array<i32>} : memref<512xf32, #tpu.memory_space<vmem>>, vector<16xf32>,
      %add3A_813 = arith.addf %add3A_810, %get3A_812 : vector<16xf32>
      %get3A_814 = arith.index_cast %mul3A_169 : i32 to index
      %get3A_815 = tpu.vector_load %arg15[%get3A_814] {strides = array<i32>} : memref<512xf32, #tpu.memory_space<vmem>>, vector<16xf32>,
      %add3A_816 = arith.addf %add3A_813, %get3A_815 : vector<16xf32>
      %add3A_817 = arith.addf %add3A_816, %get3A_95 : vector<16xf32>
      %swap3A = arith.index_cast %mul3A_169 : i32 to index
      %swap3A_818 = tpu.vector_load %arg17[%swap3A] {strides = array<i32>} : memref<512xf32, #tpu.memory_space<vmem>>, vector<16xf32>,
      tpu.vector_store %arg17[%swap3A], %add3A_817 {strides = array<i32>} : memref<512xf32, #tpu.memory_space<vmem>>, vector<16xf32>,
      %scan3A_819 = arith.constant 0 : i32
      scf.yield %scan3A_819 : i32
    }
    %scan3A_165 = arith.constant 32 : i32
    "tpu.region"() ({
      %run_scoped3A_166 = tpu.sem_alloc : memref<!tpu.dma_semaphore, #tpu.memory_space<semaphore_mem>>
      %dma_start3A_167 = tpu.memref_slice %arg9[%mul3A_2] : memref<16384xf32, #tpu.memory_space<hbm>> -> memref<512xf32, #tpu.memory_space<hbm>>
      %dma_start3A_168 = tpu.memref_slice %arg9[%mul3A_2] : memref<16384xf32, #tpu.memory_space<hbm>> -> memref<512xf32, #tpu.memory_space<hbm>>
      tpu.enqueue_dma source(%arg17 : memref<512xf32, #tpu.memory_space<vmem>>) target(%dma_start3A_168 : memref<512xf32, #tpu.memory_space<hbm>>) target_semaphore(%run_scoped3A_166 : memref<!tpu.dma_semaphore, #tpu.memory_space<semaphore_mem>>)
      %dma_wait3A_169 = tpu.memref_slice %arg9[%mul3A_2] : memref<16384xf32, #tpu.memory_space<hbm>> -> memref<512xf32, #tpu.memory_space<hbm>>
      %dma_wait3A_170 = tpu.memref_slice %arg9[%mul3A_2] : memref<16384xf32, #tpu.memory_space<hbm>> -> memref<512xf32, #tpu.memory_space<hbm>>
      tpu.wait_dma2 semaphore(%run_scoped3A_166 : memref<!tpu.dma_semaphore, #tpu.memory_space<semaphore_mem>>) src(%arg17 : memref<512xf32, #tpu.memory_space<vmem>>) dst(%dma_wait3A_170 : memref<512xf32, #tpu.memory_space<hbm>>)
      tpu.yield
    }) : () -> ()
    return
  }
}

</mosaic_0001>

<sc_bundles>
// kernel: _bpr_scores.3.cloned.1.call-start
scs
__scs_entry_jumppad:
0x0: {  	(pc) =	sbr.rel $0x88, $3  }
0x1: {  	(tag) =	ssettag $0x0;
	lr =	simm.s32 $0x1  }
0x2: {  	[smem:$0x3F9A] =	sst lr;
	_ =	strace $0xD0000000  }
0x3: {  	_ = 	snop  }
0x4: {  	_ = 	snop  }
0x5: {  	_ = 	snop  }
0x6: {  	_ = 	snop  }
0x7: {  	_ = 	snop  }
__scs_overlays_trampoline_lowered:
0x8: {  	[smem:$0x3FA9] =	sst s0  }
0x9: {  	[smem:$0x3FAA] =	sst s1  }
0xa: {  	[smem:$0x3FAB] =	sst s2  }
0xb: {  	[smem:$0x3FAC] =	sst s3  }
0xc: {  	[smem:$0x3FAD] =	sst s4  }
0xd: {  	[smem:$0x3FAE] =	sst s5  }
0xe: {  	[smem:$0x3FAF] =	sst s6  }
0xf: {  	[smem:$0x3FB0] =	sst s7  }
0x10: {  	[smem:$0x3FB1] =	sst s8  }
0x11: {  	[smem:$0x3FB2] =	sst s9;
	s0 =	simm.s32 @!p0 $0x0  }
0x12: {  	s1 =	sld [smem:$0x3F98];
	s0 =	simm.s32 @p0 $0x1  }
0x13: {  	[smem:$0x3FB3] =	sst s0;
	s0 =	simm.s32 @!p1 $0x0  }
0x14: {  	s2 =	sld [smem:$0x3F97];
	s0 =	simm.s32 @p1 $0x1  }
0x15: {  	[smem:$0x3FB4] =	sst s0;
	s0 =	simm.s32 @!p2 $0x0  }
0x16: {  	s3 =	sld [smem:$0x3FDB];
	s0 =	simm.s32 @p2 $0x1  }
0x17: {  	s4 =	simm.s32 $0x1BF5;
	[smem:$0x3FB6] =	sst s0  }
0x18: {  	s0 =	sld [smem:$0x3F99];
	_ =	swait.ge [sflag:s4], $0x0  }
0x19: {  	s7 =	sld [smem:$0x3F9A]  }
0x1a: {  	s8 =	sadd.s32 $0xFFFFE003, lr  }
0x1b: {  	s9 =	sadd.s32 $0xFFFFFEF7, lr;
	s5 =	simm.s32 $0xFFFFFFFF;
	p2 =	slt.u32 s8, $0xFFFFF086  }
0x1c: {  	p1 =	slt.u32 s9, $0xF7A;
	s5 =	simm.s32 @!p2 $0x0  }
0x1d: {  	s5 =	simm.s32 @p1 $0x1;
	p0 =	seq.s32 s7, s2  }
0x1e: {  	s7 =	smul.u32 @!p0 $0xF7A, s2;
	p2 =	seq.s32 @!p0 s5, $0x0  }
0x1f: {  	s9 =	smul.u32 $0xF7A, s1;
	s8 =	simm.s32 @!p0 $0x1BF5;
	p2 =	por !p2, p0  }
0x20: {  	[sflag:s8] =	ssyncset.s32 @!p0 $0xFFFFF086;
	s6 =	sadd.s32 @!p0 s3, s7;
	s7 =	simm.s32 @!p0 $0x108  }
0x21: {  	s3 =	sadd.s32 s3, s9;
	s6 =	sadd.s32 @!p0 $0x88, s6;
	s7 =	simm.s32 @p2 $0x1082  }
0x22: {  	[simem:s7], [sflag:s8] =	dma.local @!p0 [hbm:s6], $0xF7A  }
0x23: {  	s9 =	sor.u32 $0xD0000000, s2;
	s6 =	simm.s32 $0x108;
	_ =	swait.ge @!p0 [sflag:s8], $0x0  }
0x24: {  	s3 =	sadd.s32 $0x88, s3;
	s6 =	simm.s32 @!p1 $0x1082;
	[sflag:s4] =	ssyncset.s32 $0xFFFFF086  }
0x25: {  	[simem:s6], [sflag:s4] =	dma.local [hbm:s3], $0xF7A  }
0x26: {  	[smem:$0x3F9A] =	sst s1;
	(tag) =	ssettag s2;
	_ =	strace s9  }
0x27: {  	s1 =	sld [smem:$0x3FAA]  }
0x28: {  	s2 =	sld [smem:$0x3FAB]  }
0x29: {  	s4 =	sld [smem:$0x3FAD]  }
0x2a: {  	p0 =	seq.s32 s5, $0x0;
	s5 =	sld [smem:$0x3FAE]  }
0x2b: {  	s6 =	sld [smem:$0x3FAF]  }
0x2c: {  	s7 =	sld [smem:$0x3FB0]  }
0x2d: {  	s3 =	simm.s32 $0x108;
	s8 =	sld [smem:$0x3FB1]  }
0x2e: {  	s3 =	simm.s32 @!p0 $0x1082;
	s9 =	sld [smem:$0x3FB2]  }
0x2f: {  	lr =	sadd.s32 s0, s3;
	s0 =	sld [smem:$0x3FA9]  }
0x30: {  	s3 =	sld [smem:$0x3FAC]  }
0x31: {  	[smem:$0x3FB5] =	sst s10  }
0x32: {  	s10 =	sld [smem:$0x3FB3];
	_ =	sdelay $0x3  }
0x33: {  	p0 =	seq.s32 s10, $0x1;
	s10 =	sld [smem:$0x3FB5];
	_ =	sdelay $0x3  }
0x34: {  	[smem:$0x3FB5] =	sst s10  }
0x35: {  	s10 =	sld [smem:$0x3FB4];
	_ =	sdelay $0x3  }
0x36: {  	p1 =	seq.s32 s10, $0x1;
	s10 =	sld [smem:$0x3FB5];
	_ =	sdelay $0x3  }
0x37: {  	[smem:$0x3FB5] =	sst s10  }
0x38: {  	s10 =	sld [smem:$0x3FB6]  }
0x39: {  	_ = 	snop;
	(pc) =	sbr.ind lr, $3  }
0x3a: {  	_ = 	snop  }
0x3b: {  	_ = 	snop  }
0x3c: {  	p2 =	seq.s32 s10, $0x1;
	s10 =	sld [smem:$0x3FB5]  }
0x3d: {  	_ =	shalt  }
0x3e: {  	_ =	shalt  }
0x3f: {  	_ =	shalt  }
0x40: {  	_ =	shalt  }
0x41: {  	_ =	shalt  }
0x42: {  	_ =	shalt  }
0x43: {  	_ =	shalt  }
0x44: {  	_ =	shalt  }
0x45: {  	_ =	shalt  }
0x46: {  	_ =	shalt  }
0x47: {  	_ =	shalt  }
0x48: {  	_ =	shalt  }
0x49: {  	_ =	shalt  }
0x4a: {  	_ =	shalt  }
0x4b: {  	_ =	shalt  }
0x4c: {  	_ =	shalt  }
0x4d: {  	_ =	shalt  }
0x4e: {  	_ =	shalt  }
0x4f: {  	_ =	shalt  }
0x50: {  	_ =	shalt  }
0x51: {  	_ =	shalt  }
0x52: {  	_ =	shalt  }
0x53: {  	_ =	shalt  }
0x54: {  	_ =	shalt  }
0x55: {  	_ =	shalt  }
0x56: {  	_ =	shalt  }
0x57: {  	_ =	shalt  }
0x58: {  	_ =	shalt  }
0x59: {  	_ =	shalt  }
0x5a: {  	_ =	shalt  }
0x5b: {  	_ =	shalt  }
0x5c: {  	_ =	shalt  }
0x5d: {  	_ =	shalt  }
0x5e: {  	_ =	shalt  }
0x5f: {  	_ =	shalt  }
0x60: {  	_ =	shalt  }
0x61: {  	_ =	shalt  }
0x62: {  	_ =	shalt  }
0x63: {  	_ =	shalt  }
0x64: {  	_ =	shalt  }
0x65: {  	_ =	shalt  }
0x66: {  	_ =	shalt  }
0x67: {  	_ =	shalt  }
0x68: {  	_ =	shalt  }
0x69: {  	_ =	shalt  }
0x6a: {  	_ =	shalt  }
0x6b: {  	_ =	shalt  }
0x6c: {  	_ =	shalt  }
0x6d: {  	_ =	shalt  }
0x6e: {  	_ =	shalt  }
0x6f: {  	_ =	shalt  }
0x70: {  	_ =	shalt  }
0x71: {  	_ =	shalt  }
0x72: {  	_ =	shalt  }
0x73: {  	_ =	shalt  }
0x74: {  	_ =	shalt  }
0x75: {  	_ =	shalt  }
0x76: {  	_ =	shalt  }
0x77: {  	_ =	shalt  }
0x78: {  	_ =	shalt  }
0x79: {  	_ =	shalt  }
0x7a: {  	_ =	shalt  }
0x7b: {  	_ =	shalt  }
0x7c: {  	_ =	shalt  }
0x7d: {  	_ =	shalt  }
0x7e: {  	_ =	shalt  }
0x7f: {  	_ =	shalt  }
0x80: {  	_ =	shalt  }
0x81: {  	_ =	shalt  }
0x82: {  	_ =	shalt  }
0x83: {  	_ =	shalt  }
0x84: {  	_ =	shalt  }
0x85: {  	_ =	shalt  }
0x86: {  	_ =	shalt  }
0x87: {  	_ =	shalt  }
.Lfunc_end0:
.L_simem_size_0:
called_computation_lowered:
.L_overlay_start_0:
0x88: {  	s2 =	sld [smem:$0x3FD9]  }
0x89: {  	s3 =	sld [smem:$0x3FFE];
	_ =	sdelay $0x1  }
0x8a: {  	s1 =	srdreg.scid  }
0x8b: {  	s0 =	sand.u32 $0x1, s1  }
0x8c: {  	s17 =	sshll.u32 s0, $0xA;
	s2 =	sadd.s32 s3, s2  }
0x8d: {  	s2 =	sadd.s32 s2, s17  }
0x8e: {  	[smem:$0x3FC1] =	sst s2  }
0x8f: {  	_ = 	snop  }
0x90: {  	s2 =	sld [smem:$0x3FC9]  }
0x91: {  	s18 =	sld [smem:$0x3FC8]  }
0x92: {  	s4 =	sld [smem:$0x3FC5]  }
0x93: {  	s5 =	sld [smem:$0x3FC4]  }
0x94: {  	s6 =	sld [smem:$0x3FC3]  }
0x95: {  	s7 =	sld [smem:$0x3FD0];
	(tm) =	ssettm $0x1  }
0x96: {  	s8 =	sld [smem:$0x3FFB];
	_ =	sdelay $0x3  }
0x97: {  	_ =	strace s8  }
0x98: {  	s8 =	sld [smem:$0x3FFC];
	_ =	sdelay $0x3  }
0x99: {  	_ =	strace s8  }
0x9a: {  	s8 =	sld [smem:$0x3FFD];
	_ =	sdelay $0x3  }
0x9b: {  	_ =	strace s8  }
0x9c: {  	_ =	strace $0x8FFFFFFF  }
0x9d: {  	s19 =	sld [smem:$0x3FDB];
	_ =	sdelay $0x1  }
0x9e: {  	s9 =	simm.s32 $_scs_section_size  }
0x9f: {  	s10 =	simm.s32 $_size__tile_overlayer_lowered;
	s11 =	simm.s32 $_tile_overlayer_lowered  }
0xa0: {  	s22 =	simm.s32 $0x1BFF;
	s21 =	sshll.u32 s11, $0x1;
	s8 =	sadd.s32 s9, s19  }
0xa1: {  	s12 =	simm.s32 $0x0;
	s20 =	sshll.u32 s10, $0x1;
	s10 =	sadd.s32 s21, s8  }
0xa2: {  	[timem:s12], [sflag:s22] =	dma.local [hbm:s10], s20  }
0xa3: {  	_ =	swait.ge [sflag:s22], s20  }
0xa4: {  	s9 =	ssub.s32 $0x0, s20;
	[sflag:s22] =	ssyncset.done $0x0  }
0xa5: {  	[sflag:s22] =	ssyncadd.s32 s9;
	_ =	sdelay $0x1  }
0xa6: {  	s23 =	simm.s32 $0x1B8B  }
0xa7: {  	_ =	swait.ge [sflag:s23], $0x1  }
0xa8: {  	[sflag:s23] =	ssyncset.done $0x0  }
0xa9: {  	s25 =	simm.s32 $0x1B8E;
	s24 =	sld [smem:$0x3FFE];
	[sflag:s23] =	ssyncadd.s32 $0xFFFFFFFF  }
0xaa: {  	s26 =	simm.s32 $execute0_lowered;
	[smem:$0x3FD2] =	sst s25  }
0xab: {  	s10 =	sshll.u32 s26, $0x1;
	_ =	strace $0x80000046;
	[dreg:$0x1] =	wrdreg $0xFFFFFFFF  }
0xac: {  	s28 =	simm.s32 $_size_execute0_lowered;
	s8 =	sadd.s32 s8, s10;
	[dreg:$0x0] =	wrdreg $0x0  }
0xad: {  	s10 =	sshll.u32 s28, $0x1;
	[dreg:$0x2] =	wrdreg s8  }
0xae: {  	[dreg:$0x3] =	wrdreg s10  }
0xaf: {  	[dreg:$0x4] =	wrdreg $0xC0  }
0xb0: {  	_ =	task [dreg:s12], $0x5FFFF  }
0xb1: {  	[dreg:$0x1] =	wrdreg $0xFFFFFFFF  }
0xb2: {  	[dreg:$0x0] =	wrdreg $0x60  }
0xb3: {  	[dreg:$0x2] =	wrdreg s2  }
0xb4: {  	[dreg:$0x3] =	wrdreg s18  }
0xb5: {  	[dreg:$0x4] =	wrdreg s24  }
0xb6: {  	[dreg:$0x5] =	wrdreg s4  }
0xb7: {  	[dreg:$0x6] =	wrdreg s5  }
0xb8: {  	[dreg:$0x7] =	wrdreg s6  }
0xb9: {  	[dreg:$0x8] =	wrdreg s7  }
0xba: {  	[dreg:$0x9] =	wrdreg $0x9  }
0xbb: {  	_ =	task.clear_ibuf [dreg:s12], $0xAFFFF;
	_ =	strace $0x90000046  }
0xbc: {  	s29 =	simm.s32 $0x9;
	_ =	strace $0x80000048  }
0xbd: {  	_ =	swait.ge [sflag:s29], $0x1  }
0xbe: {  	[sflag:s29] =	ssyncadd.s32 $0xFFFFFFFF  }
0xbf: {  	_ =	strace $0x90000048  }
0xc0: {  	_ =	sfence  }
0xc1: {  	s30 =	sld [smem:$0x0];
	_ =	sdelay $0x2  }
0xc2: {  	s31 =	sshll.u32 s1, $0xD;
	s1 =	sshrl.u32 s1, $0x2  }
0xc3: {  	s3 =	sand.u32 $0x4000, s31;
	s1 =	sadd.s32 s1, s30  }
0xc4: {  	s0 =	sor.u32 s3, s0;
	s1 =	sshll.u32 s1, $0x11  }
0xc5: {  	s0 =	sor.u32 s1, s0  }
0xc6: {  	s0 =	sadd.s32 $0x8F2B, s0  }
0xc7: {  	[sflag:s0] =	ssyncadd.remote.s32 $0x1  }
0xc8: {  	_ =	sfence.sel $0xFFFF  }
0xc9: {  	[dreg:$0x0] =	wrdreg $0xFFFFFFFF;
	(pc) =	sbr.abs _section_cstart, $3  }
0xca: {  	[dreg:$0x1] =	wrdreg $0xFFFFFFFF  }
0xcb: {  	_ =	task.clear_ibuf [dreg:s12], $0x2FFFF;
	_ =	strace $0x9FFFFFFF  }
0xcc: {  	(tm) =	ssettm $0x7FFFFFFF  }
0xcd: {  	_ =	shalt  }
tec
execute0_lowered:
.L_overlay_start_1:
0x0: {  	(tag) =	ssettag $0x1  }
0x1: {  	s0 =	rddreg [dreg:$0x0]  }
0x2: {  	s3 =	rddreg [dreg:$0x1]  }
0x3: {  	s4 =	rddreg [dreg:$0x2]  }
0x4: {  	s1 =	rddreg [dreg:$0x3]  }
0x5: {  	s2 =	rddreg [dreg:$0x4]  }
0x6: {  	s8 =	rddreg [dreg:$0x6];
	s5 =	simm.s32 $0x0  }
0x7: {  	s6 =	srdreg.scid;
	s7 =	stileid.u32;
	s18 =	simm.s32 $0x3  }
0x8: {  	s19 =	simm.s32 $0x200;
	s20 =	simm.s32 $0x80;
	s21 =	simm.s32 $0x280  }
0x9: {  	s22 =	simm.s32 $0x100;
	s23 =	simm.s32 $0x300;
	s28 =	simm.s32 $0x1  }
0xa: {  	s29 =	simm.s32 $0x2;
	s31 =	simm.s32 $0x0;
	[smem:$0x7FF] =	sst s5  }
0xb: {  	s6 =	sand.u32 $0x1, s6;
	s7 =	sshll.u32 s7, $0x7;
	_ =	strace $0x80000047  }
0xc: {  	s9 =	ssub.s32 $0x2, s6;
	s10 =	sshll.u32 s6, $0x6;
	s6 =	sadd.s32 $0x7A1400, s4  }
0xd: {  	s11 =	sshrl.u32 s9, $0x1;
	s16 =	sor.u32 s10, s7;
	s7 =	sadd.s32 $0x200, s4  }
0xe: {  	s24 =	ssub.s32 s9, s11;
	s25 =	sor.u32 $0x10, s16;
	s26 =	sadd.s32 s0, s16  }
0xf: {  	s30 =	sadd.s32 s3, s16;
	s13 =	sor.u32 $0x20, s16;
	[dreg:$0x8] =	wrdreg s26  }
0x10: {  	s15 =	sor.u32 $0x30, s16;
	s16 =	sadd.s32 s8, s16;
	[dreg:$0x9] =	wrdreg s30  }
0x11: {  	s10 =	sadd.s32 s0, s25;
	s11 =	sadd.s32 s3, s25;
	s12 =	sadd.s32 s0, s13  }
0x12: {  	s13 =	sadd.s32 s3, s13;
	s14 =	sadd.s32 s0, s15;
	s15 =	sadd.s32 s3, s15  }
0x13: {  	s17 =	smax.u32 s24, $0x1;
	s24 =	simm.s32 $0x180;
	s25 =	simm.s32 $0x380  }
.LBB2_1:
0x14: {  	s0 =	rddreg [dreg:$0x8]  }
0x15: {  	[tilespmem:s5], [sflag:$0x3] =	stream.linear.gather [hbm4b:s0+s5], $0x80, $0x38;
	[tilespmem:$0x10A10] =	vst v63  }
0x16: {  	_ =	swait.ge [sflag:s18], $0x80  }
0x17: {  	[sflag:s18] =	ssyncset.done $0x0  }
0x18: {  	s8 =	rddreg [dreg:$0x9];
	[sflag:s18] =	ssyncadd.s32 $0xFFFFFF80  }
0x19: {  	[tilespmem:s19], [sflag:$0x3] =	stream.linear.gather [hbm4b:s8+s5], $0x80, $0x38;
	[tilespmem:$0x10A10] =	vst v63  }
0x1a: {  	_ =	swait.ge [sflag:s18], $0x80  }
0x1b: {  	[sflag:s18] =	ssyncset.done $0x0  }
0x1c: {  	[sflag:s18] =	ssyncadd.s32 $0xFFFFFF80  }
0x1d: {  	[tilespmem:s20], [sflag:$0x3] =	stream.linear.gather [hbm4b:s10+s5], $0x80, $0x38;
	[tilespmem:$0x10A10] =	vst v63  }
0x1e: {  	_ =	swait.ge [sflag:s18], $0x80  }
0x1f: {  	[sflag:s18] =	ssyncset.done $0x0  }
0x20: {  	[sflag:s18] =	ssyncadd.s32 $0xFFFFFF80  }
0x21: {  	[tilespmem:s21], [sflag:$0x3] =	stream.linear.gather [hbm4b:s11+s5], $0x80, $0x38;
	[tilespmem:$0x10A10] =	vst v63  }
0x22: {  	_ =	swait.ge [sflag:s18], $0x80  }
0x23: {  	[sflag:s18] =	ssyncset.done $0x0  }
0x24: {  	[sflag:s18] =	ssyncadd.s32 $0xFFFFFF80  }
0x25: {  	[tilespmem:s22], [sflag:$0x3] =	stream.linear.gather [hbm4b:s12+s5], $0x80, $0x38;
	[tilespmem:$0x10A10] =	vst v63  }
0x26: {  	_ =	swait.ge [sflag:s18], $0x80  }
0x27: {  	[sflag:s18] =	ssyncset.done $0x0  }
0x28: {  	[sflag:s18] =	ssyncadd.s32 $0xFFFFFF80  }
0x29: {  	[tilespmem:s23], [sflag:$0x3] =	stream.linear.gather [hbm4b:s13+s5], $0x80, $0x38;
	[tilespmem:$0x10A10] =	vst v63  }
0x2a: {  	_ =	swait.ge [sflag:s18], $0x80  }
0x2b: {  	[sflag:s18] =	ssyncset.done $0x0  }
0x2c: {  	[sflag:s18] =	ssyncadd.s32 $0xFFFFFF80  }
0x2d: {  	[tilespmem:s24], [sflag:$0x3] =	stream.linear.gather [hbm4b:s14+s5], $0x80, $0x38;
	[tilespmem:$0x10A10] =	vst v63  }
0x2e: {  	_ =	swait.ge [sflag:s18], $0x80  }
0x2f: {  	[sflag:s18] =	ssyncset.done $0x0  }
0x30: {  	[sflag:s18] =	ssyncadd.s32 $0xFFFFFF80  }
0x31: {  	[tilespmem:s25], [sflag:$0x3] =	stream.linear.gather [hbm4b:s15+s5], $0x80, $0x38;
	[tilespmem:$0x10A10] =	vst v63  }
0x32: {  	_ =	swait.ge [sflag:s18], $0x80  }
0x33: {  	[sflag:s18] =	ssyncset.done $0x0  }
0x34: {  	[sflag:s18] =	ssyncadd.s32 $0xFFFFFF80  }
0x35: {  	s3 =	simm.s32 $0x10800;
	s9 =	rddreg [dreg:$0x5]  }
0x36: {  	[tilespmem:s3], [sflag:$0x3] =	stream.linear.gather [hbm4b:s9+s5], $0x10, $0x38;
	[tilespmem:$0x10A10] =	vst v63  }
0x37: {  	_ =	swait.ge [sflag:s18], $0x10  }
0x38: {  	[sflag:s18] =	ssyncset.done $0x0  }
0x39: {  	s26 =	simm.s32 $0x10400;
	[sflag:s18] =	ssyncadd.s32 $0xFFFFFFF0  }
0x3a: {  	[tilespmem:s26], [sflag:$0x2] =	stream.indirect.gather [hbm4b:s1+s20], $0x1, s5, s20, $0xb8;
	[tilespmem:$0x10A10] =	vst v63  }
0x3b: {  	s3 =	simm.s32 $0x10600  }
0x3c: {  	[tilespmem:s3], [sflag:$0x2] =	stream.indirect.gather [hbm4b:s2+s20], $0x1, s19, s20, $0xb8;
	[tilespmem:$0x10A10] =	vst v63  }
0x3d: {  	s4 =	simm.s32 $0x10480  }
0x3e: {  	[tilespmem:s4], [sflag:$0x2] =	stream.indirect.gather [hbm4b:s1+s20], $0x1, s20, s20, $0xb8;
	[tilespmem:$0x10A10] =	vst v63  }
0x3f: {  	s8 =	simm.s32 $0x10680  }
0x40: {  	[tilespmem:s8], [sflag:$0x2] =	stream.indirect.gather [hbm4b:s2+s20], $0x1, s21, s20, $0xb8;
	[tilespmem:$0x10A10] =	vst v63  }
0x41: {  	s9 =	simm.s32 $0x10500  }
0x42: {  	[tilespmem:s9], [sflag:$0x2] =	stream.indirect.gather [hbm4b:s1+s20], $0x1, s22, s20, $0xb8;
	[tilespmem:$0x10A10] =	vst v63  }
0x43: {  	s26 =	simm.s32 $0x10700  }
0x44: {  	[tilespmem:s26], [sflag:$0x2] =	stream.indirect.gather [hbm4b:s2+s20], $0x1, s23, s20, $0xb8;
	[tilespmem:$0x10A10] =	vst v63  }
0x45: {  	s3 =	simm.s32 $0x10580  }
0x46: {  	[tilespmem:s3], [sflag:$0x2] =	stream.indirect.gather [hbm4b:s1+s20], $0x1, s24, s20, $0xb8;
	[tilespmem:$0x10A10] =	vst v63  }
0x47: {  	s4 =	simm.s32 $0x10780  }
0x48: {  	[tilespmem:s4], [sflag:$0x2] =	stream.indirect.gather [hbm4b:s2+s20], $0x1, s25, s20, $0xb8;
	[tilespmem:$0x10A10] =	vst v63  }
0x49: {  	s8 =	simm.s32 $0x400  }
0x4a: {  	[tilespmem:s8], [sflag:$0x1] =	stream.indirect.gather [hbm4b:s6+s20], $0x1, s5, s20, $0xb8;
	[tilespmem:$0x10A10] =	vst v63  }
0x4b: {  	s9 =	simm.s32 $0x8400  }
0x4c: {  	[tilespmem:s9], [sflag:$0x1] =	stream.indirect.gather [hbm4b:s7+s20], $0x1, s19, s20, $0xb8;
	[tilespmem:$0x10A10] =	vst v63  }
0x4d: {  	s26 =	simm.s32 $0x480  }
0x4e: {  	[tilespmem:s26], [sflag:$0x1] =	stream.indirect.gather [hbm4b:s6+s20], $0x1, s20, s20, $0xb8;
	[tilespmem:$0x10A10] =	vst v63  }
0x4f: {  	s3 =	simm.s32 $0x8480  }
0x50: {  	[tilespmem:s3], [sflag:$0x1] =	stream.indirect.gather [hbm4b:s7+s20], $0x1, s21, s20, $0xb8;
	[tilespmem:$0x10A10] =	vst v63  }
0x51: {  	s4 =	simm.s32 $0x500  }
0x52: {  	[tilespmem:s4], [sflag:$0x1] =	stream.indirect.gather [hbm4b:s6+s20], $0x1, s22, s20, $0xb8;
	[tilespmem:$0x10A10] =	vst v63  }
0x53: {  	s8 =	simm.s32 $0x8500  }
0x54: {  	[tilespmem:s8], [sflag:$0x1] =	stream.indirect.gather [hbm4b:s7+s20], $0x1, s23, s20, $0xb8;
	[tilespmem:$0x10A10] =	vst v63  }
0x55: {  	s9 =	simm.s32 $0x580  }
0x56: {  	[tilespmem:s9], [sflag:$0x1] =	stream.indirect.gather [hbm4b:s6+s20], $0x1, s24, s20, $0xb8;
	[tilespmem:$0x10A10] =	vst v63  }
0x57: {  	s26 =	simm.s32 $0x8580  }
0x58: {  	[tilespmem:s26], [sflag:$0x1] =	stream.indirect.gather [hbm4b:s7+s20], $0x1, s25, s20, $0xb8;
	[tilespmem:$0x10A10] =	vst v63  }
0x59: {  	_ =	swait.ge [sflag:s28], $0x80  }
0x5a: {  	[sflag:s28] =	ssyncset.done $0x0  }
0x5b: {  	[sflag:s28] =	ssyncadd.s32 $0xFFFFFF80  }
0x5c: {  	_ =	swait.ge [sflag:s28], $0x80  }
0x5d: {  	[sflag:s28] =	ssyncset.done $0x0  }
0x5e: {  	[sflag:s28] =	ssyncadd.s32 $0xFFFFFF80  }
0x5f: {  	_ =	swait.ge [sflag:s28], $0x80  }
0x60: {  	[sflag:s28] =	ssyncset.done $0x0  }
0x61: {  	[sflag:s28] =	ssyncadd.s32 $0xFFFFFF80  }
0x62: {  	_ =	swait.ge [sflag:s28], $0x80  }
0x63: {  	[sflag:s28] =	ssyncset.done $0x0  }
0x64: {  	[sflag:s28] =	ssyncadd.s32 $0xFFFFFF80  }
0x65: {  	_ =	swait.ge [sflag:s28], $0x80  }
0x66: {  	[sflag:s28] =	ssyncset.done $0x0  }
0x67: {  	[sflag:s28] =	ssyncadd.s32 $0xFFFFFF80  }
0x68: {  	_ =	swait.ge [sflag:s28], $0x80  }
0x69: {  	[sflag:s28] =	ssyncset.done $0x0  }
0x6a: {  	[sflag:s28] =	ssyncadd.s32 $0xFFFFFF80  }
0x6b: {  	_ =	swait.ge [sflag:s28], $0x80  }
0x6c: {  	[sflag:s28] =	ssyncset.done $0x0  }
0x6d: {  	[sflag:s28] =	ssyncadd.s32 $0xFFFFFF80  }
0x6e: {  	s30 =	simm.s32 $0x200;
	s0 =	sadd.s32 $0x1E848, s7;
	_ =	swait.ge [sflag:s28], $0x80  }
0x6f: {  	s3 =	sadd.s32 $0x30D4, s6;
	s4 =	simm.s32 $0x1000;
	[sflag:s28] =	ssyncset.done $0x0  }
.LBB2_2:
0x70: {  	s9 =	sadd.s32 $0x400, s30  }
0x71: {  	[sflag:s28] =	ssyncadd.s32 $0xFFFFFF80;
	s26 =	smov.u32 s4;
	s8 =	sadd.s32 $0x800, s4  }
0x72: {  	[tilespmem:s9], [sflag:$0x1] =	stream.indirect.gather [hbm4b:s3+s20], $0x1, s5, s20, $0xb8;
	[tilespmem:$0x10A10] =	vst v63  }
0x73: {  	p0 =	sne.s32 s4, $0x1F800;
	s4 =	sadd.s32 $0x8400, s30  }
0x74: {  	[tilespmem:s4], [sflag:$0x1] =	stream.indirect.gather [hbm4b:s0+s20], $0x1, s19, s20, $0xb8;
	[tilespmem:$0x10A10] =	vst v63  }
0x75: {  	s4 =	sadd.s32 $0x480, s30  }
0x76: {  	[tilespmem:s4], [sflag:$0x1] =	stream.indirect.gather [hbm4b:s3+s20], $0x1, s20, s20, $0xb8;
	[tilespmem:$0x10A10] =	vst v63  }
0x77: {  	s4 =	sadd.s32 $0x8480, s30  }
0x78: {  	[tilespmem:s4], [sflag:$0x1] =	stream.indirect.gather [hbm4b:s0+s20], $0x1, s21, s20, $0xb8;
	[tilespmem:$0x10A10] =	vst v63  }
0x79: {  	s4 =	sadd.s32 $0x500, s30  }
0x7a: {  	[tilespmem:s4], [sflag:$0x1] =	stream.indirect.gather [hbm4b:s3+s20], $0x1, s22, s20, $0xb8;
	[tilespmem:$0x10A10] =	vst v63  }
0x7b: {  	s4 =	sadd.s32 $0x8500, s30  }
0x7c: {  	[tilespmem:s4], [sflag:$0x1] =	stream.indirect.gather [hbm4b:s0+s20], $0x1, s23, s20, $0xb8;
	[tilespmem:$0x10A10] =	vst v63  }
0x7d: {  	s4 =	sadd.s32 $0x580, s30  }
0x7e: {  	[tilespmem:s4], [sflag:$0x1] =	stream.indirect.gather [hbm4b:s3+s20], $0x1, s24, s20, $0xb8;
	[tilespmem:$0x10A10] =	vst v63  }
0x7f: {  	s4 =	sadd.s32 $0x8580, s30  }
0x80: {  	[tilespmem:s4], [sflag:$0x1] =	stream.indirect.gather [hbm4b:s0+s20], $0x1, s25, s20, $0xb8;
	[tilespmem:$0x10A10] =	vst v63  }
0x81: {  	_ =	swait.ge [sflag:s28], $0x80  }
0x82: {  	[sflag:s28] =	ssyncset.done $0x0  }
0x83: {  	[sflag:s28] =	ssyncadd.s32 $0xFFFFFF80  }
0x84: {  	_ =	swait.ge [sflag:s28], $0x80  }
0x85: {  	[sflag:s28] =	ssyncset.done $0x0  }
0x86: {  	[sflag:s28] =	ssyncadd.s32 $0xFFFFFF80  }
0x87: {  	_ =	swait.ge [sflag:s28], $0x80  }
0x88: {  	[sflag:s28] =	ssyncset.done $0x0  }
0x89: {  	[sflag:s28] =	ssyncadd.s32 $0xFFFFFF80  }
0x8a: {  	_ =	swait.ge [sflag:s28], $0x80  }
0x8b: {  	[sflag:s28] =	ssyncset.done $0x0  }
0x8c: {  	[sflag:s28] =	ssyncadd.s32 $0xFFFFFF80  }
0x8d: {  	_ =	swait.ge [sflag:s28], $0x80  }
0x8e: {  	[sflag:s28] =	ssyncset.done $0x0  }
0x8f: {  	[sflag:s28] =	ssyncadd.s32 $0xFFFFFF80  }
0x90: {  	_ =	swait.ge [sflag:s28], $0x80  }
0x91: {  	[sflag:s28] =	ssyncset.done $0x0  }
0x92: {  	[sflag:s28] =	ssyncadd.s32 $0xFFFFFF80  }
.Ltmp0:
0x93: {  	_ =	swait.ge [sflag:s28], $0x80;
	(pc) =	sbr.rel @p0 .LBB2_2-.Ltmp0, $4  }
0x94: {  	[sflag:s28] =	ssyncset.done $0x0  }
0x95: {  	[sflag:s28] =	ssyncadd.s32 $0xFFFFFF80  }
0x96: {  	s30 =	sshra.s32 s26, $0x2;
	s0 =	sadd.s32 $0x1E848, s0;
	_ =	swait.ge [sflag:s28], $0x80  }
0x97: {  	s3 =	sadd.s32 $0x30D4, s3;
	s4 =	smov.u32 s8;
	[sflag:s28] =	ssyncset.done $0x0  }
0x98: {  	s4 =	sadd.s32 $0x400, s30;
	[sflag:s28] =	ssyncadd.s32 $0xFFFFFF80  }
0x99: {  	[tilespmem:s4], [sflag:$0x1] =	stream.indirect.gather [hbm4b:s3+s20], $0x1, s5, s20, $0xb8;
	[tilespmem:$0x10A10] =	vst v63  }
0x9a: {  	s8 =	sadd.s32 $0x8400, s30  }
0x9b: {  	[tilespmem:s8], [sflag:$0x1] =	stream.indirect.gather [hbm4b:s0+s20], $0x1, s19, s20, $0xb8;
	[tilespmem:$0x10A10] =	vst v63  }
0x9c: {  	s9 =	sadd.s32 $0x480, s30  }
0x9d: {  	[tilespmem:s9], [sflag:$0x1] =	stream.indirect.gather [hbm4b:s3+s20], $0x1, s20, s20, $0xb8;
	[tilespmem:$0x10A10] =	vst v63  }
0x9e: {  	s26 =	sadd.s32 $0x8480, s30  }
0x9f: {  	[tilespmem:s26], [sflag:$0x1] =	stream.indirect.gather [hbm4b:s0+s20], $0x1, s21, s20, $0xb8;
	[tilespmem:$0x10A10] =	vst v63  }
0xa0: {  	s8 =	sadd.s32 $0x500, s30  }
0xa1: {  	[tilespmem:s8], [sflag:$0x1] =	stream.indirect.gather [hbm4b:s3+s20], $0x1, s22, s20, $0xb8;
	[tilespmem:$0x10A10] =	vst v63  }
0xa2: {  	s9 =	sadd.s32 $0x8500, s30  }
0xa3: {  	[tilespmem:s9], [sflag:$0x1] =	stream.indirect.gather [hbm4b:s0+s20], $0x1, s23, s20, $0xb8;
	[tilespmem:$0x10A10] =	vst v63  }
0xa4: {  	s26 =	sadd.s32 $0x580, s30  }
0xa5: {  	[tilespmem:s26], [sflag:$0x1] =	stream.indirect.gather [hbm4b:s3+s20], $0x1, s24, s20, $0xb8;
	[tilespmem:$0x10A10] =	vst v63  }
0xa6: {  	s30 =	sadd.s32 $0x8580, s30  }
0xa7: {  	[tilespmem:s30], [sflag:$0x1] =	stream.indirect.gather [hbm4b:s0+s20], $0x1, s25, s20, $0xb8;
	[tilespmem:$0x10A10] =	vst v63  }
0xa8: {  	_ =	swait.ge [sflag:s28], $0x80  }
0xa9: {  	[sflag:s28] =	ssyncset.done $0x0  }
0xaa: {  	[sflag:s28] =	ssyncadd.s32 $0xFFFFFF80  }
0xab: {  	_ =	swait.ge [sflag:s28], $0x80  }
0xac: {  	[sflag:s28] =	ssyncset.done $0x0  }
0xad: {  	[sflag:s28] =	ssyncadd.s32 $0xFFFFFF80  }
0xae: {  	_ =	swait.ge [sflag:s28], $0x80  }
0xaf: {  	[sflag:s28] =	ssyncset.done $0x0  }
0xb0: {  	[sflag:s28] =	ssyncadd.s32 $0xFFFFFF80  }
0xb1: {  	_ =	swait.ge [sflag:s28], $0x80  }
0xb2: {  	[sflag:s28] =	ssyncset.done $0x0  }
0xb3: {  	[sflag:s28] =	ssyncadd.s32 $0xFFFFFF80  }
0xb4: {  	_ =	swait.ge [sflag:s28], $0x80  }
0xb5: {  	[sflag:s28] =	ssyncset.done $0x0  }
0xb6: {  	[sflag:s28] =	ssyncadd.s32 $0xFFFFFF80  }
0xb7: {  	_ =	swait.ge [sflag:s28], $0x80  }
0xb8: {  	[sflag:s28] =	ssyncset.done $0x0  }
0xb9: {  	[sflag:s28] =	ssyncadd.s32 $0xFFFFFF80  }
0xba: {  	_ =	swait.ge [sflag:s28], $0x80  }
0xbb: {  	[sflag:s28] =	ssyncset.done $0x0  }
0xbc: {  	[sflag:s28] =	ssyncadd.s32 $0xFFFFFF80  }
0xbd: {  	_ =	swait.ge [sflag:s28], $0x80  }
0xbe: {  	[sflag:s28] =	ssyncset.done $0x0  }
0xbf: {  	[sflag:s28] =	ssyncadd.s32 $0xFFFFFF80  }
0xc0: {  	v0 =	vld [tilespmem:$0x10800];
	_ =	swait.ge [sflag:s29], $0x80  }
0xc1: {  	[sflag:s29] =	ssyncset.done $0x0  }
0xc2: {  	[sflag:s29] =	ssyncadd.s32 $0xFFFFFF80  }
0xc3: {  	_ =	swait.ge [sflag:s29], $0x80  }
0xc4: {  	[sflag:s29] =	ssyncset.done $0x0  }
0xc5: {  	[sflag:s29] =	ssyncadd.s32 $0xFFFFFF80  }
0xc6: {  	_ =	swait.ge [sflag:s29], $0x80  }
0xc7: {  	[sflag:s29] =	ssyncset.done $0x0  }
0xc8: {  	[sflag:s29] =	ssyncadd.s32 $0xFFFFFF80  }
0xc9: {  	_ =	swait.ge [sflag:s29], $0x80  }
0xca: {  	[sflag:s29] =	ssyncset.done $0x0  }
0xcb: {  	[sflag:s29] =	ssyncadd.s32 $0xFFFFFF80  }
0xcc: {  	_ =	swait.ge [sflag:s29], $0x80  }
0xcd: {  	[sflag:s29] =	ssyncset.done $0x0  }
0xce: {  	[sflag:s29] =	ssyncadd.s32 $0xFFFFFF80  }
0xcf: {  	_ =	swait.ge [sflag:s29], $0x80  }
0xd0: {  	[sflag:s29] =	ssyncset.done $0x0  }
0xd1: {  	[sflag:s29] =	ssyncadd.s32 $0xFFFFFF80  }
0xd2: {  	_ =	swait.ge [sflag:s29], $0x80  }
0xd3: {  	[sflag:s29] =	ssyncset.done $0x0  }
0xd4: {  	[sflag:s29] =	ssyncadd.s32 $0xFFFFFF80  }
0xd5: {  	_ =	swait.ge [sflag:s29], $0x80  }
0xd6: {  	[sflag:s29] =	ssyncset.done $0x0  }
0xd7: {  	s0 =	simm.s32 $0x0;
	[sflag:s29] =	ssyncadd.s32 $0xFFFFFF80  }
0xd8: {  	v1 =	vld [tilespmem:s0+$0x400]  }
0xd9: {  	v2 =	vld [tilespmem:s0+$0x8400]  }
0xda: {  	v3 =	vld [tilespmem:s0+$0x600]  }
0xdb: {  	v4 =	vld [tilespmem:s0+$0x8600]  }
0xdc: {  	v5 =	vld [tilespmem:s0+$0x800]  }
0xdd: {  	v6 =	vld [tilespmem:s0+$0x8800]  }
0xde: {  	v7 =	vld [tilespmem:s0+$0x8A00];
	v1 =	vmul.f32 v2, v1  }
0xdf: {  	v2 =	vld [tilespmem:s0+$0xA00]  }
0xe0: {  	v8 =	vld [tilespmem:s0+$0x8C00];
	v3 =	vmul.f32 v4, v3;
	v1 =	vadd.f32 $0.0e+00, v1  }
0xe1: {  	v4 =	vld [tilespmem:s0+$0xC00]  }
0xe2: {  	v1 =	vadd.f32 v3, v1;
	v3 =	vmul.f32 v6, v5;
	v5 =	vld [tilespmem:s0+$0xE00]  }
0xe3: {  	v6 =	vld [tilespmem:s0+$0x8E00]  }
0xe4: {  	v2 =	vmul.f32 v7, v2;
	v7 =	vld [tilespmem:s0+$0x9000];
	v1 =	vadd.f32 v3, v1  }
0xe5: {  	v3 =	vld [tilespmem:s0+$0x1000]  }
0xe6: {  	v1 =	vadd.f32 v2, v1;
	v2 =	vmul.f32 v8, v4;
	v4 =	vld [tilespmem:s0+$0x1200]  }
0xe7: {  	v8 =	vld [tilespmem:s0+$0x9200]  }
0xe8: {  	v1 =	vadd.f32 v2, v1;
	v2 =	vmul.f32 v6, v5;
	v5 =	vld [tilespmem:s0+$0x1400]  }
0xe9: {  	v6 =	vld [tilespmem:s0+$0x9400]  }
0xea: {  	v1 =	vadd.f32 v2, v1;
	v2 =	vmul.f32 v7, v3;
	v3 =	vld [tilespmem:s0+$0x1600]  }
0xeb: {  	v7 =	vld [tilespmem:s0+$0x9600]  }
0xec: {  	v1 =	vadd.f32 v2, v1;
	v2 =	vmul.f32 v8, v4;
	v4 =	vld [tilespmem:s0+$0x1800]  }
0xed: {  	v8 =	vld [tilespmem:s0+$0x9800]  }
0xee: {  	v1 =	vadd.f32 v2, v1;
	v2 =	vmul.f32 v6, v5;
	v5 =	vld [tilespmem:s0+$0x1A00]  }
0xef: {  	v6 =	vld [tilespmem:s0+$0x9A00]  }
0xf0: {  	v1 =	vadd.f32 v2, v1;
	v2 =	vmul.f32 v7, v3;
	v3 =	vld [tilespmem:s0+$0x1C00]  }
0xf1: {  	v7 =	vld [tilespmem:s0+$0x9C00]  }
0xf2: {  	v1 =	vadd.f32 v2, v1;
	v2 =	vmul.f32 v8, v4;
	v4 =	vld [tilespmem:s0+$0x1E00]  }
0xf3: {  	v8 =	vld [tilespmem:s0+$0x9E00]  }
0xf4: {  	v1 =	vadd.f32 v2, v1;
	v2 =	vmul.f32 v6, v5;
	v5 =	vld [tilespmem:s0+$0x2000]  }
0xf5: {  	v6 =	vld [tilespmem:s0+$0xA000]  }
0xf6: {  	v1 =	vadd.f32 v2, v1;
	v2 =	vmul.f32 v7, v3;
	v3 =	vld [tilespmem:s0+$0x2200]  }
0xf7: {  	v7 =	vld [tilespmem:s0+$0xA200]  }
0xf8: {  	v1 =	vadd.f32 v2, v1;
	v2 =	vmul.f32 v8, v4;
	v4 =	vld [tilespmem:s0+$0x2400]  }
0xf9: {  	v8 =	vld [tilespmem:s0+$0xA400]  }
0xfa: {  	v1 =	vadd.f32 v2, v1;
	v2 =	vmul.f32 v6, v5;
	v5 =	vld [tilespmem:s0+$0x2600]  }
0xfb: {  	v6 =	vld [tilespmem:s0+$0xA600]  }
0xfc: {  	v1 =	vadd.f32 v2, v1;
	v2 =	vmul.f32 v7, v3;
	v3 =	vld [tilespmem:s0+$0x2800]  }
0xfd: {  	v7 =	vld [tilespmem:s0+$0xA800]  }
0xfe: {  	v1 =	vadd.f32 v2, v1;
	v2 =	vmul.f32 v8, v4;
	v4 =	vld [tilespmem:s0+$0x2A00]  }
0xff: {  	v8 =	vld [tilespmem:s0+$0xAA00]  }
0x100: {  	v1 =	vadd.f32 v2, v1;
	v2 =	vmul.f32 v6, v5;
	v5 =	vld [tilespmem:s0+$0x2C00]  }
0x101: {  	v6 =	vld [tilespmem:s0+$0xAC00]  }
0x102: {  	v1 =	vadd.f32 v2, v1;
	v2 =	vmul.f32 v7, v3;
	v3 =	vld [tilespmem:s0+$0x2E00]  }
0x103: {  	v7 =	vld [tilespmem:s0+$0xAE00]  }
0x104: {  	v1 =	vadd.f32 v2, v1;
	v2 =	vmul.f32 v8, v4;
	v4 =	vld [tilespmem:s0+$0x3000]  }
0x105: {  	v8 =	vld [tilespmem:s0+$0xB000]  }
0x106: {  	v1 =	vadd.f32 v2, v1;
	v2 =	vmul.f32 v6, v5;
	v5 =	vld [tilespmem:s0+$0x3200]  }
0x107: {  	v6 =	vld [tilespmem:s0+$0xB200]  }
0x108: {  	v1 =	vadd.f32 v2, v1;
	v2 =	vmul.f32 v7, v3;
	v3 =	vld [tilespmem:s0+$0x3400]  }
0x109: {  	v7 =	vld [tilespmem:s0+$0xB400]  }
0x10a: {  	v1 =	vadd.f32 v2, v1;
	v2 =	vmul.f32 v8, v4;
	v4 =	vld [tilespmem:s0+$0x3600]  }
0x10b: {  	v8 =	vld [tilespmem:s0+$0xB600]  }
0x10c: {  	v1 =	vadd.f32 v2, v1;
	v2 =	vmul.f32 v6, v5;
	v5 =	vld [tilespmem:s0+$0x3800]  }
0x10d: {  	v6 =	vld [tilespmem:s0+$0xB800]  }
0x10e: {  	v1 =	vadd.f32 v2, v1;
	v2 =	vmul.f32 v7, v3;
	v3 =	vld [tilespmem:s0+$0x3A00]  }
0x10f: {  	v7 =	vld [tilespmem:s0+$0xBA00]  }
0x110: {  	v1 =	vadd.f32 v2, v1;
	v2 =	vmul.f32 v8, v4;
	v4 =	vld [tilespmem:s0+$0x3C00]  }
0x111: {  	v8 =	vld [tilespmem:s0+$0xBC00]  }
0x112: {  	v1 =	vadd.f32 v2, v1;
	v2 =	vmul.f32 v6, v5;
	v5 =	vld [tilespmem:s0+$0x3E00]  }
0x113: {  	v6 =	vld [tilespmem:s0+$0xBE00]  }
0x114: {  	v1 =	vadd.f32 v2, v1;
	v2 =	vmul.f32 v7, v3;
	v3 =	vld [tilespmem:s0+$0x4000]  }
0x115: {  	v7 =	vld [tilespmem:s0+$0xC000]  }
0x116: {  	v1 =	vadd.f32 v2, v1;
	v2 =	vmul.f32 v8, v4;
	v4 =	vld [tilespmem:s0+$0x4200]  }
0x117: {  	v8 =	vld [tilespmem:s0+$0xC200]  }
0x118: {  	v1 =	vadd.f32 v2, v1;
	v2 =	vmul.f32 v6, v5;
	v5 =	vld [tilespmem:s0+$0x4400]  }
0x119: {  	v6 =	vld [tilespmem:s0+$0xC400]  }
0x11a: {  	v1 =	vadd.f32 v2, v1;
	v2 =	vmul.f32 v7, v3;
	v3 =	vld [tilespmem:s0+$0x4600]  }
0x11b: {  	v7 =	vld [tilespmem:s0+$0xC600]  }
0x11c: {  	v1 =	vadd.f32 v2, v1;
	v2 =	vmul.f32 v8, v4;
	v4 =	vld [tilespmem:s0+$0x4800]  }
0x11d: {  	v8 =	vld [tilespmem:s0+$0xC800]  }
0x11e: {  	v1 =	vadd.f32 v2, v1;
	v2 =	vmul.f32 v6, v5;
	v5 =	vld [tilespmem:s0+$0x4A00]  }
0x11f: {  	v6 =	vld [tilespmem:s0+$0xCA00]  }
0x120: {  	v1 =	vadd.f32 v2, v1;
	v2 =	vmul.f32 v7, v3;
	v3 =	vld [tilespmem:s0+$0x4C00]  }
0x121: {  	v7 =	vld [tilespmem:s0+$0xCC00]  }
0x122: {  	v1 =	vadd.f32 v2, v1;
	v2 =	vmul.f32 v8, v4;
	v4 =	vld [tilespmem:s0+$0x4E00]  }
0x123: {  	v8 =	vld [tilespmem:s0+$0xCE00]  }
0x124: {  	v1 =	vadd.f32 v2, v1;
	v2 =	vmul.f32 v6, v5;
	v5 =	vld [tilespmem:s0+$0x5000]  }
0x125: {  	v6 =	vld [tilespmem:s0+$0xD000]  }
0x126: {  	v1 =	vadd.f32 v2, v1;
	v2 =	vmul.f32 v7, v3;
	v3 =	vld [tilespmem:s0+$0x5200]  }
0x127: {  	v7 =	vld [tilespmem:s0+$0xD200]  }
0x128: {  	v1 =	vadd.f32 v2, v1;
	v2 =	vmul.f32 v8, v4;
	v4 =	vld [tilespmem:s0+$0x5400]  }
0x129: {  	v8 =	vld [tilespmem:s0+$0xD400]  }
0x12a: {  	v1 =	vadd.f32 v2, v1;
	v2 =	vmul.f32 v6, v5;
	v5 =	vld [tilespmem:s0+$0x5600]  }
0x12b: {  	v6 =	vld [tilespmem:s0+$0xD600]  }
0x12c: {  	v1 =	vadd.f32 v2, v1;
	v2 =	vmul.f32 v7, v3;
	v3 =	vld [tilespmem:s0+$0x5800]  }
0x12d: {  	v7 =	vld [tilespmem:s0+$0xD800]  }
0x12e: {  	v1 =	vadd.f32 v2, v1;
	v2 =	vmul.f32 v8, v4;
	v4 =	vld [tilespmem:s0+$0x5A00]  }
0x12f: {  	v8 =	vld [tilespmem:s0+$0xDA00]  }
0x130: {  	v1 =	vadd.f32 v2, v1;
	v2 =	vmul.f32 v6, v5;
	v5 =	vld [tilespmem:s0+$0x5C00]  }
0x131: {  	v6 =	vld [tilespmem:s0+$0xDC00]  }
0x132: {  	v1 =	vadd.f32 v2, v1;
	v2 =	vmul.f32 v7, v3;
	v3 =	vld [tilespmem:s0+$0x5E00]  }
0x133: {  	v7 =	vld [tilespmem:s0+$0xDE00]  }
0x134: {  	v1 =	vadd.f32 v2, v1;
	v2 =	vmul.f32 v8, v4;
	v4 =	vld [tilespmem:s0+$0x6000]  }
0x135: {  	v8 =	vld [tilespmem:s0+$0xE000]  }
0x136: {  	v1 =	vadd.f32 v2, v1;
	v2 =	vmul.f32 v6, v5;
	v5 =	vld [tilespmem:s0+$0x6200]  }
0x137: {  	v6 =	vld [tilespmem:s0+$0xE200]  }
0x138: {  	v1 =	vadd.f32 v2, v1;
	v2 =	vmul.f32 v7, v3;
	v3 =	vld [tilespmem:s0+$0x6400]  }
0x139: {  	v7 =	vld [tilespmem:s0+$0xE400]  }
0x13a: {  	v1 =	vadd.f32 v2, v1;
	v2 =	vmul.f32 v8, v4;
	v4 =	vld [tilespmem:s0+$0x6600]  }
0x13b: {  	v8 =	vld [tilespmem:s0+$0xE600]  }
0x13c: {  	v1 =	vadd.f32 v2, v1;
	v2 =	vmul.f32 v6, v5;
	v5 =	vld [tilespmem:s0+$0x6800]  }
0x13d: {  	v6 =	vld [tilespmem:s0+$0xE800]  }
0x13e: {  	v1 =	vadd.f32 v2, v1;
	v2 =	vmul.f32 v7, v3;
	v3 =	vld [tilespmem:s0+$0x6A00]  }
0x13f: {  	v7 =	vld [tilespmem:s0+$0xEA00]  }
0x140: {  	v1 =	vadd.f32 v2, v1;
	v2 =	vmul.f32 v8, v4;
	v4 =	vld [tilespmem:s0+$0x6C00]  }
0x141: {  	v8 =	vld [tilespmem:s0+$0xEC00]  }
0x142: {  	v1 =	vadd.f32 v2, v1;
	v2 =	vmul.f32 v6, v5;
	v5 =	vld [tilespmem:s0+$0x6E00]  }
0x143: {  	v6 =	vld [tilespmem:s0+$0xEE00]  }
0x144: {  	v1 =	vadd.f32 v2, v1;
	v2 =	vmul.f32 v7, v3;
	v3 =	vld [tilespmem:s0+$0x7000]  }
0x145: {  	v7 =	vld [tilespmem:s0+$0xF000]  }
0x146: {  	v1 =	vadd.f32 v2, v1;
	v2 =	vmul.f32 v8, v4;
	v4 =	vld [tilespmem:s0+$0x7200]  }
0x147: {  	v8 =	vld [tilespmem:s0+$0xF200]  }
0x148: {  	v1 =	vadd.f32 v2, v1;
	v2 =	vmul.f32 v6, v5;
	v5 =	vld [tilespmem:s0+$0x7400]  }
0x149: {  	v6 =	vld [tilespmem:s0+$0xF400]  }
0x14a: {  	v1 =	vadd.f32 v2, v1;
	v2 =	vmul.f32 v7, v3;
	v3 =	vld [tilespmem:s0+$0x7600]  }
0x14b: {  	v7 =	vld [tilespmem:s0+$0xF600]  }
0x14c: {  	v1 =	vadd.f32 v2, v1;
	v2 =	vmul.f32 v8, v4;
	v4 =	vld [tilespmem:s0+$0x7800]  }
0x14d: {  	v8 =	vld [tilespmem:s0+$0xF800]  }
0x14e: {  	v1 =	vadd.f32 v2, v1;
	v2 =	vmul.f32 v6, v5;
	v5 =	vld [tilespmem:s0+$0x7A00]  }
0x14f: {  	v6 =	vld [tilespmem:s0+$0xFA00]  }
0x150: {  	v1 =	vadd.f32 v2, v1;
	v2 =	vmul.f32 v7, v3;
	v3 =	vld [tilespmem:s0+$0x7C00]  }
0x151: {  	v7 =	vld [tilespmem:s0+$0xFC00]  }
0x152: {  	v9 =	vld [tilespmem:s0+$0xFE00];
	v1 =	vadd.f32 v2, v1;
	v2 =	vmul.f32 v8, v4  }
0x153: {  	v8 =	vld [tilespmem:s0+$0x7E00]  }
0x154: {  	v10 =	vld [tilespmem:s0+$0x8000];
	v1 =	vadd.f32 v2, v1;
	v2 =	vmul.f32 v6, v5  }
0x155: {  	v11 =	vld [tilespmem:s0+$0x10000]  }
0x156: {  	v4 =	vld [tilespmem:s0+$0x10200];
	v1 =	vadd.f32 v2, v1;
	v2 =	vmul.f32 v7, v3  }
0x157: {  	s3 =	simm.s32 $0x10;
	v3 =	vld [tilespmem:s0+$0x8200]  }
0x158: {  	v5 =	vld [tilespmem:s3+$0x400];
	v7 =	vmul.f32 v9, v8;
	v6 =	vadd.f32 v2, v1  }
0x159: {  	v1 =	vld [tilespmem:s0+$0x10600]  }
0x15a: {  	s4 =	simm.s32 $0x80;
	v2 =	vld [tilespmem:s0+$0x10400];
	v6 =	vadd.f32 v7, v6;
	v7 =	vmul.f32 v11, v10  }
.LBB2_4:
0x15b: {  	p0 =	sne.s32 s4, $0x7C0;
	v8 =	vld [tilespmem:s3+$0x8400]  }
0x15c: {  	v9 =	vld [tilespmem:s3+$0x600];
	v6 =	vadd.f32 v7, v6;
	v3 =	vmul.f32 v4, v3  }
0x15d: {  	v4 =	vld [tilespmem:s3+$0x8600]  }
0x15e: {  	v7 =	vld [tilespmem:s3+$0x800];
	v3 =	vadd.f32 v3, v6  }
0x15f: {  	v6 =	vld [tilespmem:s3+$0x8800]  }
0x160: {  	v5 =	vmul.f32 v8, v5;
	v8 =	vld [tilespmem:s3+$0xA00];
	v2 =	vadd.f32 v3, v2  }
0x161: {  	v3 =	vld [tilespmem:s3+$0x8A00]  }
0x162: {  	v5 =	vadd.f32 $0.0e+00, v5;
	v4 =	vmul.f32 v4, v9;
	v9 =	vld [tilespmem:s3+$0xC00];
	v1 =	vadd.f32 v2, v1  }
0x163: {  	v2 =	vld [tilespmem:s3+$0x8C00]  }
0x164: {  	v4 =	vadd.f32 v4, v5;
	v5 =	vmul.f32 v6, v7;
	v6 =	vld [tilespmem:s3+$0xE00];
	v1 =	vadd.f32 v1, v0  }
0x165: {  	v7 =	vld [tilespmem:s3+$0x8E00]  }
0x166: {  	v4 =	vadd.f32 v5, v4;
	v3 =	vmul.f32 v3, v8;
	v5 =	vld [tilespmem:s3+$0x1000];
	[tilespmem:s0+$0x10810] =	vst v1;
	s0 =	smov.u32 s3  }
0x167: {  	v1 =	vld [tilespmem:s0+$0x9000]  }
0x168: {  	v3 =	vadd.f32 v3, v4;
	v2 =	vmul.f32 v2, v9;
	v4 =	vld [tilespmem:s0+$0x1200]  }
0x169: {  	v8 =	vld [tilespmem:s0+$0x9200]  }
0x16a: {  	v2 =	vadd.f32 v2, v3;
	v3 =	vmul.f32 v7, v6;
	v6 =	vld [tilespmem:s0+$0x1400]  }
0x16b: {  	v7 =	vld [tilespmem:s0+$0x9400]  }
0x16c: {  	v2 =	vadd.f32 v3, v2;
	v1 =	vmul.f32 v1, v5;
	v3 =	vld [tilespmem:s0+$0x1600]  }
0x16d: {  	v5 =	vld [tilespmem:s0+$0x9600]  }
0x16e: {  	v1 =	vadd.f32 v1, v2;
	v2 =	vmul.f32 v8, v4;
	v4 =	vld [tilespmem:s0+$0x1800]  }
0x16f: {  	v8 =	vld [tilespmem:s0+$0x9800]  }
0x170: {  	v1 =	vadd.f32 v2, v1;
	v2 =	vmul.f32 v7, v6;
	v6 =	vld [tilespmem:s0+$0x1A00]  }
0x171: {  	v7 =	vld [tilespmem:s0+$0x9A00]  }
0x172: {  	v1 =	vadd.f32 v2, v1;
	v2 =	vmul.f32 v5, v3;
	v3 =	vld [tilespmem:s0+$0x1C00]  }
0x173: {  	v5 =	vld [tilespmem:s0+$0x9C00]  }
0x174: {  	v1 =	vadd.f32 v2, v1;
	v2 =	vmul.f32 v8, v4;
	v4 =	vld [tilespmem:s0+$0x1E00]  }
0x175: {  	v8 =	vld [tilespmem:s0+$0x9E00]  }
0x176: {  	v1 =	vadd.f32 v2, v1;
	v2 =	vmul.f32 v7, v6;
	v6 =	vld [tilespmem:s0+$0x2000]  }
0x177: {  	v7 =	vld [tilespmem:s0+$0xA000]  }
0x178: {  	v1 =	vadd.f32 v2, v1;
	v2 =	vmul.f32 v5, v3;
	v3 =	vld [tilespmem:s0+$0x2200]  }
0x179: {  	v5 =	vld [tilespmem:s0+$0xA200]  }
0x17a: {  	v1 =	vadd.f32 v2, v1;
	v2 =	vmul.f32 v8, v4;
	v4 =	vld [tilespmem:s0+$0x2400]  }
0x17b: {  	v8 =	vld [tilespmem:s0+$0xA400]  }
0x17c: {  	v1 =	vadd.f32 v2, v1;
	v2 =	vmul.f32 v7, v6;
	v6 =	vld [tilespmem:s0+$0x2600]  }
0x17d: {  	v7 =	vld [tilespmem:s0+$0xA600]  }
0x17e: {  	v1 =	vadd.f32 v2, v1;
	v2 =	vmul.f32 v5, v3;
	v3 =	vld [tilespmem:s0+$0x2800]  }
0x17f: {  	v5 =	vld [tilespmem:s0+$0xA800]  }
0x180: {  	v1 =	vadd.f32 v2, v1;
	v2 =	vmul.f32 v8, v4;
	v4 =	vld [tilespmem:s0+$0x2A00]  }
0x181: {  	v8 =	vld [tilespmem:s0+$0xAA00]  }
0x182: {  	v1 =	vadd.f32 v2, v1;
	v2 =	vmul.f32 v7, v6;
	v6 =	vld [tilespmem:s0+$0x2C00]  }
0x183: {  	v7 =	vld [tilespmem:s0+$0xAC00]  }
0x184: {  	v1 =	vadd.f32 v2, v1;
	v2 =	vmul.f32 v5, v3;
	v3 =	vld [tilespmem:s0+$0x2E00]  }
0x185: {  	v5 =	vld [tilespmem:s0+$0xAE00]  }
0x186: {  	v1 =	vadd.f32 v2, v1;
	v2 =	vmul.f32 v8, v4;
	v4 =	vld [tilespmem:s0+$0x3000]  }
0x187: {  	v8 =	vld [tilespmem:s0+$0xB000]  }
0x188: {  	v1 =	vadd.f32 v2, v1;
	v2 =	vmul.f32 v7, v6;
	v6 =	vld [tilespmem:s0+$0x3200]  }
0x189: {  	v7 =	vld [tilespmem:s0+$0xB200]  }
0x18a: {  	v1 =	vadd.f32 v2, v1;
	v2 =	vmul.f32 v5, v3;
	v3 =	vld [tilespmem:s0+$0x3400]  }
0x18b: {  	v5 =	vld [tilespmem:s0+$0xB400]  }
0x18c: {  	v1 =	vadd.f32 v2, v1;
	v2 =	vmul.f32 v8, v4;
	v4 =	vld [tilespmem:s0+$0x3600]  }
0x18d: {  	v8 =	vld [tilespmem:s0+$0xB600]  }
0x18e: {  	v1 =	vadd.f32 v2, v1;
	v2 =	vmul.f32 v7, v6;
	v6 =	vld [tilespmem:s0+$0x3800]  }
0x18f: {  	v7 =	vld [tilespmem:s0+$0xB800]  }
0x190: {  	v1 =	vadd.f32 v2, v1;
	v2 =	vmul.f32 v5, v3;
	v3 =	vld [tilespmem:s0+$0x3A00]  }
0x191: {  	v5 =	vld [tilespmem:s0+$0xBA00]  }
0x192: {  	v1 =	vadd.f32 v2, v1;
	v2 =	vmul.f32 v8, v4;
	v4 =	vld [tilespmem:s0+$0x3C00]  }
0x193: {  	v8 =	vld [tilespmem:s0+$0xBC00]  }
0x194: {  	v1 =	vadd.f32 v2, v1;
	v2 =	vmul.f32 v7, v6;
	v6 =	vld [tilespmem:s0+$0x3E00]  }
0x195: {  	v7 =	vld [tilespmem:s0+$0xBE00]  }
0x196: {  	v1 =	vadd.f32 v2, v1;
	v2 =	vmul.f32 v5, v3;
	v3 =	vld [tilespmem:s0+$0x4000]  }
0x197: {  	v5 =	vld [tilespmem:s0+$0xC000]  }
0x198: {  	v1 =	vadd.f32 v2, v1;
	v2 =	vmul.f32 v8, v4;
	v4 =	vld [tilespmem:s0+$0x4200]  }
0x199: {  	v8 =	vld [tilespmem:s0+$0xC200]  }
0x19a: {  	v1 =	vadd.f32 v2, v1;
	v2 =	vmul.f32 v7, v6;
	v6 =	vld [tilespmem:s0+$0x4400]  }
0x19b: {  	v7 =	vld [tilespmem:s0+$0xC400]  }
0x19c: {  	v1 =	vadd.f32 v2, v1;
	v2 =	vmul.f32 v5, v3;
	v3 =	vld [tilespmem:s0+$0x4600]  }
0x19d: {  	v5 =	vld [tilespmem:s0+$0xC600]  }
0x19e: {  	v1 =	vadd.f32 v2, v1;
	v2 =	vmul.f32 v8, v4;
	v4 =	vld [tilespmem:s0+$0x4800]  }
0x19f: {  	v8 =	vld [tilespmem:s0+$0xC800]  }
0x1a0: {  	v1 =	vadd.f32 v2, v1;
	v2 =	vmul.f32 v7, v6;
	v6 =	vld [tilespmem:s0+$0x4A00]  }
0x1a1: {  	v7 =	vld [tilespmem:s0+$0xCA00]  }
0x1a2: {  	v1 =	vadd.f32 v2, v1;
	v2 =	vmul.f32 v5, v3;
	v3 =	vld [tilespmem:s0+$0x4C00]  }
0x1a3: {  	v5 =	vld [tilespmem:s0+$0xCC00]  }
0x1a4: {  	v1 =	vadd.f32 v2, v1;
	v2 =	vmul.f32 v8, v4;
	v4 =	vld [tilespmem:s0+$0x4E00]  }
0x1a5: {  	v8 =	vld [tilespmem:s0+$0xCE00]  }
0x1a6: {  	v1 =	vadd.f32 v2, v1;
	v2 =	vmul.f32 v7, v6;
	v6 =	vld [tilespmem:s0+$0x5000]  }
0x1a7: {  	v7 =	vld [tilespmem:s0+$0xD000]  }
0x1a8: {  	v1 =	vadd.f32 v2, v1;
	v2 =	vmul.f32 v5, v3;
	v3 =	vld [tilespmem:s0+$0x5200]  }
0x1a9: {  	v5 =	vld [tilespmem:s0+$0xD200]  }
0x1aa: {  	v1 =	vadd.f32 v2, v1;
	v2 =	vmul.f32 v8, v4;
	v4 =	vld [tilespmem:s0+$0x5400]  }
0x1ab: {  	v8 =	vld [tilespmem:s0+$0xD400]  }
0x1ac: {  	v1 =	vadd.f32 v2, v1;
	v2 =	vmul.f32 v7, v6;
	v6 =	vld [tilespmem:s0+$0x5600]  }
0x1ad: {  	v7 =	vld [tilespmem:s0+$0xD600]  }
0x1ae: {  	v1 =	vadd.f32 v2, v1;
	v2 =	vmul.f32 v5, v3;
	v3 =	vld [tilespmem:s0+$0x5800]  }
0x1af: {  	v5 =	vld [tilespmem:s0+$0xD800]  }
0x1b0: {  	v1 =	vadd.f32 v2, v1;
	v2 =	vmul.f32 v8, v4;
	v4 =	vld [tilespmem:s0+$0x5A00]  }
0x1b1: {  	v8 =	vld [tilespmem:s0+$0xDA00]  }
0x1b2: {  	v1 =	vadd.f32 v2, v1;
	v2 =	vmul.f32 v7, v6;
	v6 =	vld [tilespmem:s0+$0x5C00]  }
0x1b3: {  	v7 =	vld [tilespmem:s0+$0xDC00]  }
0x1b4: {  	v1 =	vadd.f32 v2, v1;
	v2 =	vmul.f32 v5, v3;
	v3 =	vld [tilespmem:s0+$0x5E00]  }
0x1b5: {  	v5 =	vld [tilespmem:s0+$0xDE00]  }
0x1b6: {  	v1 =	vadd.f32 v2, v1;
	v2 =	vmul.f32 v8, v4;
	v4 =	vld [tilespmem:s0+$0x6000]  }
0x1b7: {  	v8 =	vld [tilespmem:s0+$0xE000]  }
0x1b8: {  	v1 =	vadd.f32 v2, v1;
	v2 =	vmul.f32 v7, v6;
	v6 =	vld [tilespmem:s0+$0x6200]  }
0x1b9: {  	v7 =	vld [tilespmem:s0+$0xE200]  }
0x1ba: {  	v1 =	vadd.f32 v2, v1;
	v2 =	vmul.f32 v5, v3;
	v3 =	vld [tilespmem:s0+$0x6400]  }
0x1bb: {  	v5 =	vld [tilespmem:s0+$0xE400]  }
0x1bc: {  	v1 =	vadd.f32 v2, v1;
	v2 =	vmul.f32 v8, v4;
	v4 =	vld [tilespmem:s0+$0x6600]  }
0x1bd: {  	v8 =	vld [tilespmem:s0+$0xE600]  }
0x1be: {  	v1 =	vadd.f32 v2, v1;
	v2 =	vmul.f32 v7, v6;
	v6 =	vld [tilespmem:s0+$0x6800]  }
0x1bf: {  	v7 =	vld [tilespmem:s0+$0xE800]  }
0x1c0: {  	v1 =	vadd.f32 v2, v1;
	v2 =	vmul.f32 v5, v3;
	v3 =	vld [tilespmem:s0+$0x6A00]  }
0x1c1: {  	v5 =	vld [tilespmem:s0+$0xEA00]  }
0x1c2: {  	v1 =	vadd.f32 v2, v1;
	v2 =	vmul.f32 v8, v4;
	v4 =	vld [tilespmem:s0+$0x6C00]  }
0x1c3: {  	v8 =	vld [tilespmem:s0+$0xEC00]  }
0x1c4: {  	v1 =	vadd.f32 v2, v1;
	v2 =	vmul.f32 v7, v6;
	v6 =	vld [tilespmem:s0+$0x6E00]  }
0x1c5: {  	v7 =	vld [tilespmem:s0+$0xEE00]  }
0x1c6: {  	v1 =	vadd.f32 v2, v1;
	v2 =	vmul.f32 v5, v3;
	v3 =	vld [tilespmem:s0+$0x7000]  }
0x1c7: {  	v5 =	vld [tilespmem:s0+$0xF000]  }
0x1c8: {  	v1 =	vadd.f32 v2, v1;
	v2 =	vmul.f32 v8, v4;
	v4 =	vld [tilespmem:s0+$0x7200]  }
0x1c9: {  	v8 =	vld [tilespmem:s0+$0xF200]  }
0x1ca: {  	v1 =	vadd.f32 v2, v1;
	v2 =	vmul.f32 v7, v6;
	v6 =	vld [tilespmem:s0+$0x7400]  }
0x1cb: {  	v7 =	vld [tilespmem:s0+$0xF400]  }
0x1cc: {  	v1 =	vadd.f32 v2, v1;
	v2 =	vmul.f32 v5, v3;
	v3 =	vld [tilespmem:s0+$0x7600]  }
0x1cd: {  	v5 =	vld [tilespmem:s0+$0xF600]  }
0x1ce: {  	v1 =	vadd.f32 v2, v1;
	v2 =	vmul.f32 v8, v4;
	v4 =	vld [tilespmem:s0+$0x7800]  }
0x1cf: {  	v8 =	vld [tilespmem:s0+$0xF800]  }
0x1d0: {  	v1 =	vadd.f32 v2, v1;
	v2 =	vmul.f32 v7, v6;
	v6 =	vld [tilespmem:s0+$0x7A00]  }
0x1d1: {  	v7 =	vld [tilespmem:s0+$0xFA00]  }
0x1d2: {  	v1 =	vadd.f32 v2, v1;
	v2 =	vmul.f32 v5, v3;
	v3 =	vld [tilespmem:s0+$0x7C00]  }
0x1d3: {  	v5 =	vld [tilespmem:s0+$0xFC00]  }
0x1d4: {  	v1 =	vadd.f32 v2, v1;
	v2 =	vmul.f32 v8, v4;
	v8 =	vld [tilespmem:s0+$0x7E00]  }
0x1d5: {  	v9 =	vld [tilespmem:s0+$0xFE00]  }
0x1d6: {  	v1 =	vadd.f32 v2, v1;
	v2 =	vmul.f32 v7, v6;
	v7 =	vld [tilespmem:s0+$0x8000]  }
0x1d7: {  	v10 =	vld [tilespmem:s0+$0x10000]  }
.Ltmp1:
0x1d8: {  	v1 =	vadd.f32 v2, v1;
	v2 =	vmul.f32 v5, v3;
	v3 =	vld [tilespmem:s0+$0x8200];
	(pc) =	sbr.rel @p0 .LBB2_4-.Ltmp1, $4  }
0x1d9: {  	v4 =	vld [tilespmem:s0+$0x10200]  }
0x1da: {  	v6 =	vadd.f32 v2, v1;
	v8 =	vmul.f32 v9, v8;
	v1 =	vld [tilespmem:s0+$0x10600]  }
0x1db: {  	s3 =	sshra.s32 s4, $0x2;
	v2 =	vld [tilespmem:s0+$0x10400]  }
0x1dc: {  	s4 =	sadd.s32 $0x40, s4;
	v5 =	vld [tilespmem:s3+$0x400];
	v6 =	vadd.f32 v8, v6;
	v7 =	vmul.f32 v10, v7  }
0x1dd: {  	v8 =	vld [tilespmem:s3+$0x8400]  }
0x1de: {  	v9 =	vld [tilespmem:s3+$0x600];
	v6 =	vadd.f32 v7, v6;
	v3 =	vmul.f32 v4, v3  }
0x1df: {  	v36 =	vld [tilespmem:s3+$0x8600]  }
0x1e0: {  	v37 =	vld [tilespmem:s3+$0x800];
	v3 =	vadd.f32 v3, v6  }
0x1e1: {  	v38 =	vld [tilespmem:s3+$0x8800]  }
0x1e2: {  	v10 =	vld [tilespmem:s3+$0xA00];
	v5 =	vmul.f32 v8, v5;
	v2 =	vadd.f32 v3, v2  }
0x1e3: {  	v39 =	vld [tilespmem:s3+$0x8A00]  }
0x1e4: {  	v40 =	vld [tilespmem:s3+$0xC00];
	v4 =	vmul.f32 v36, v9;
	v5 =	vadd.f32 $0.0e+00, v5;
	v1 =	vadd.f32 v2, v1  }
0x1e5: {  	v41 =	vld [tilespmem:s3+$0x8C00]  }
0x1e6: {  	v42 =	vld [tilespmem:s3+$0xE00];
	v43 =	vmul.f32 v38, v37;
	v4 =	vadd.f32 v4, v5;
	v1 =	vadd.f32 v1, v0  }
0x1e7: {  	v44 =	vld [tilespmem:s3+$0x8E00]  }
0x1e8: {  	v45 =	vld [tilespmem:s3+$0x1000];
	v3 =	vmul.f32 v39, v10;
	v4 =	vadd.f32 v43, v4;
	[tilespmem:s0+$0x10810] =	vst v1  }
0x1e9: {  	v1 =	vld [tilespmem:s3+$0x9000]  }
0x1ea: {  	v2 =	vmul.f32 v41, v40;
	v46 =	vld [tilespmem:s3+$0x1200];
	v3 =	vadd.f32 v3, v4  }
0x1eb: {  	v47 =	vld [tilespmem:s3+$0x9200]  }
0x1ec: {  	v48 =	vmul.f32 v44, v42;
	v49 =	vld [tilespmem:s3+$0x1400];
	v2 =	vadd.f32 v2, v3  }
0x1ed: {  	v50 =	vld [tilespmem:s3+$0x9400]  }
0x1ee: {  	v51 =	vld [tilespmem:s3+$0x1600];
	v2 =	vadd.f32 v48, v2;
	v1 =	vmul.f32 v1, v45  }
0x1ef: {  	v52 =	vld [tilespmem:s3+$0x9600]  }
0x1f0: {  	v54 =	vld [tilespmem:s3+$0x1800];
	v53 =	vmul.f32 v47, v46;
	v1 =	vadd.f32 v1, v2  }
0x1f1: {  	v55 =	vld [tilespmem:s3+$0x9800]  }
0x1f2: {  	v57 =	vld [tilespmem:s3+$0x1A00];
	v56 =	vmul.f32 v50, v49;
	v1 =	vadd.f32 v53, v1  }
0x1f3: {  	v58 =	vld [tilespmem:s3+$0x9A00]  }
0x1f4: {  	v60 =	vld [tilespmem:s3+$0x1C00];
	v59 =	vmul.f32 v52, v51;
	v1 =	vadd.f32 v56, v1  }
0x1f5: {  	v61 =	vld [tilespmem:s3+$0x9C00]  }
0x1f6: {  	v63 =	vld [tilespmem:s3+$0x1E00];
	v62 =	vmul.f32 v55, v54;
	v1 =	vadd.f32 v59, v1  }
0x1f7: {  	v12 =	vld [tilespmem:s3+$0x9E00]  }
0x1f8: {  	v14 =	vld [tilespmem:s3+$0x2000];
	v13 =	vmul.f32 v58, v57;
	v1 =	vadd.f32 v62, v1  }
0x1f9: {  	v15 =	vld [tilespmem:s3+$0xA000]  }
0x1fa: {  	v17 =	vld [tilespmem:s3+$0x2200];
	v16 =	vmul.f32 v61, v60;
	v1 =	vadd.f32 v13, v1  }
0x1fb: {  	v18 =	vld [tilespmem:s3+$0xA200]  }
0x1fc: {  	v20 =	vld [tilespmem:s3+$0x2400];
	v19 =	vmul.f32 v12, v63;
	v1 =	vadd.f32 v16, v1  }
0x1fd: {  	v21 =	vld [tilespmem:s3+$0xA400]  }
0x1fe: {  	v23 =	vld [tilespmem:s3+$0x2600];
	v22 =	vmul.f32 v15, v14;
	v1 =	vadd.f32 v19, v1  }
0x1ff: {  	v24 =	vld [tilespmem:s3+$0xA600]  }
0x200: {  	v26 =	vld [tilespmem:s3+$0x2800];
	v25 =	vmul.f32 v18, v17;
	v1 =	vadd.f32 v22, v1  }
0x201: {  	v27 =	vld [tilespmem:s3+$0xA800]  }
0x202: {  	v29 =	vld [tilespmem:s3+$0x2A00];
	v28 =	vmul.f32 v21, v20;
	v1 =	vadd.f32 v25, v1  }
0x203: {  	v30 =	vld [tilespmem:s3+$0xAA00]  }
0x204: {  	v32 =	vld [tilespmem:s3+$0x2C00];
	v31 =	vmul.f32 v24, v23;
	v1 =	vadd.f32 v28, v1  }
0x205: {  	v33 =	vld [tilespmem:s3+$0xAC00]  }
0x206: {  	v35 =	vld [tilespmem:s3+$0x2E00];
	v34 =	vmul.f32 v27, v26;
	v1 =	vadd.f32 v31, v1  }
0x207: {  	v36 =	vld [tilespmem:s3+$0xAE00]  }
0x208: {  	v38 =	vld [tilespmem:s3+$0x3000];
	v37 =	vmul.f32 v30, v29;
	v1 =	vadd.f32 v34, v1  }
0x209: {  	v39 =	vld [tilespmem:s3+$0xB000]  }
0x20a: {  	v41 =	vld [tilespmem:s3+$0x3200];
	v40 =	vmul.f32 v33, v32;
	v1 =	vadd.f32 v37, v1  }
0x20b: {  	v42 =	vld [tilespmem:s3+$0xB200]  }
0x20c: {  	v44 =	vld [tilespmem:s3+$0x3400];
	v43 =	vmul.f32 v36, v35;
	v1 =	vadd.f32 v40, v1  }
0x20d: {  	v45 =	vld [tilespmem:s3+$0xB400]  }
0x20e: {  	v46 =	vmul.f32 v39, v38;
	v47 =	vld [tilespmem:s3+$0x3600];
	v1 =	vadd.f32 v43, v1  }
0x20f: {  	v48 =	vld [tilespmem:s3+$0xB600]  }
0x210: {  	v49 =	vmul.f32 v42, v41;
	v50 =	vld [tilespmem:s3+$0x3800];
	v1 =	vadd.f32 v46, v1  }
0x211: {  	v51 =	vld [tilespmem:s3+$0xB800]  }
0x212: {  	v54 =	vld [tilespmem:s3+$0xBA00];
	v52 =	vmul.f32 v45, v44;
	v1 =	vadd.f32 v49, v1  }
0x213: {  	v53 =	vld [tilespmem:s3+$0x3A00]  }
0x214: {  	v57 =	vld [tilespmem:s3+$0xBC00];
	v55 =	vmul.f32 v48, v47;
	v1 =	vadd.f32 v52, v1  }
0x215: {  	v56 =	vld [tilespmem:s3+$0x3C00]  }
0x216: {  	v60 =	vld [tilespmem:s3+$0xBE00];
	v58 =	vmul.f32 v51, v50;
	v1 =	vadd.f32 v55, v1  }
0x217: {  	v59 =	vld [tilespmem:s3+$0x3E00]  }
0x218: {  	v63 =	vld [tilespmem:s3+$0xC000];
	v61 =	vmul.f32 v54, v53;
	v1 =	vadd.f32 v58, v1  }
0x219: {  	v62 =	vld [tilespmem:s3+$0x4000]  }
0x21a: {  	v12 =	vld [tilespmem:s3+$0x4200];
	v11 =	vmul.f32 v57, v56;
	v1 =	vadd.f32 v61, v1  }
0x21b: {  	v13 =	vld [tilespmem:s3+$0xC200]  }
0x21c: {  	v15 =	vld [tilespmem:s3+$0x4400];
	v14 =	vmul.f32 v60, v59;
	v1 =	vadd.f32 v11, v1  }
0x21d: {  	v16 =	vld [tilespmem:s3+$0xC400]  }
0x21e: {  	v18 =	vld [tilespmem:s3+$0x4600];
	v17 =	vmul.f32 v63, v62;
	v1 =	vadd.f32 v14, v1  }
0x21f: {  	v19 =	vld [tilespmem:s3+$0xC600]  }
0x220: {  	v21 =	vld [tilespmem:s3+$0x4800];
	v20 =	vmul.f32 v13, v12;
	v1 =	vadd.f32 v17, v1  }
0x221: {  	v22 =	vld [tilespmem:s3+$0xC800]  }
0x222: {  	v24 =	vld [tilespmem:s3+$0x4A00];
	v23 =	vmul.f32 v16, v15;
	v1 =	vadd.f32 v20, v1  }
0x223: {  	v25 =	vld [tilespmem:s3+$0xCA00]  }
0x224: {  	v27 =	vld [tilespmem:s3+$0x4C00];
	v26 =	vmul.f32 v19, v18;
	v1 =	vadd.f32 v23, v1  }
0x225: {  	v28 =	vld [tilespmem:s3+$0xCC00]  }
0x226: {  	v30 =	vld [tilespmem:s3+$0x4E00];
	v29 =	vmul.f32 v22, v21;
	v1 =	vadd.f32 v26, v1  }
0x227: {  	v31 =	vld [tilespmem:s3+$0xCE00]  }
0x228: {  	v33 =	vld [tilespmem:s3+$0x5000];
	v32 =	vmul.f32 v25, v24;
	v1 =	vadd.f32 v29, v1  }
0x229: {  	v34 =	vld [tilespmem:s3+$0xD000]  }
0x22a: {  	v36 =	vld [tilespmem:s3+$0x5200];
	v35 =	vmul.f32 v28, v27;
	v1 =	vadd.f32 v32, v1  }
0x22b: {  	v37 =	vld [tilespmem:s3+$0xD200]  }
0x22c: {  	v39 =	vld [tilespmem:s3+$0x5400];
	v38 =	vmul.f32 v31, v30;
	v1 =	vadd.f32 v35, v1  }
0x22d: {  	v40 =	vld [tilespmem:s3+$0xD400]  }
0x22e: {  	v42 =	vld [tilespmem:s3+$0x5600];
	v41 =	vmul.f32 v34, v33;
	v1 =	vadd.f32 v38, v1  }
0x22f: {  	v43 =	vld [tilespmem:s3+$0xD600]  }
0x230: {  	v45 =	vld [tilespmem:s3+$0x5800];
	v44 =	vmul.f32 v37, v36;
	v1 =	vadd.f32 v41, v1  }
0x231: {  	v46 =	vld [tilespmem:s3+$0xD800]  }
0x232: {  	v48 =	vld [tilespmem:s3+$0x5A00];
	v47 =	vmul.f32 v40, v39;
	v1 =	vadd.f32 v44, v1  }
0x233: {  	v49 =	vld [tilespmem:s3+$0xDA00]  }
0x234: {  	v51 =	vld [tilespmem:s3+$0x5C00];
	v50 =	vmul.f32 v43, v42;
	v1 =	vadd.f32 v47, v1  }
0x235: {  	v52 =	vld [tilespmem:s3+$0xDC00]  }
0x236: {  	v54 =	vld [tilespmem:s3+$0x5E00];
	v53 =	vmul.f32 v46, v45;
	v1 =	vadd.f32 v50, v1  }
0x237: {  	v55 =	vld [tilespmem:s3+$0xDE00]  }
0x238: {  	v57 =	vld [tilespmem:s3+$0x6000];
	v56 =	vmul.f32 v49, v48;
	v1 =	vadd.f32 v53, v1  }
0x239: {  	v58 =	vld [tilespmem:s3+$0xE000]  }
0x23a: {  	v60 =	vld [tilespmem:s3+$0x6200];
	v59 =	vmul.f32 v52, v51;
	v1 =	vadd.f32 v56, v1  }
0x23b: {  	v61 =	vld [tilespmem:s3+$0xE200]  }
0x23c: {  	v63 =	vld [tilespmem:s3+$0x6400];
	v62 =	vmul.f32 v55, v54;
	v1 =	vadd.f32 v59, v1  }
0x23d: {  	v12 =	vld [tilespmem:s3+$0xE400]  }
0x23e: {  	v15 =	vld [tilespmem:s3+$0xE600];
	v13 =	vmul.f32 v58, v57;
	v1 =	vadd.f32 v62, v1  }
0x23f: {  	v14 =	vld [tilespmem:s3+$0x6600]  }
0x240: {  	v18 =	vld [tilespmem:s3+$0xE800];
	v16 =	vmul.f32 v61, v60;
	v1 =	vadd.f32 v13, v1  }
0x241: {  	v17 =	vld [tilespmem:s3+$0x6800]  }
0x242: {  	v19 =	vmul.f32 v12, v63;
	v21 =	vld [tilespmem:s3+$0xEA00];
	v1 =	vadd.f32 v16, v1  }
0x243: {  	v20 =	vld [tilespmem:s3+$0x6A00]  }
0x244: {  	v24 =	vld [tilespmem:s3+$0xEC00];
	v22 =	vmul.f32 v15, v14;
	v1 =	vadd.f32 v19, v1  }
0x245: {  	v23 =	vld [tilespmem:s3+$0x6C00]  }
0x246: {  	v27 =	vld [tilespmem:s3+$0xEE00];
	v25 =	vmul.f32 v18, v17;
	v1 =	vadd.f32 v22, v1  }
0x247: {  	v26 =	vld [tilespmem:s3+$0x6E00]  }
0x248: {  	v30 =	vld [tilespmem:s3+$0xF000];
	v28 =	vmul.f32 v21, v20;
	v1 =	vadd.f32 v25, v1  }
0x249: {  	v29 =	vld [tilespmem:s3+$0x7000]  }
0x24a: {  	v33 =	vld [tilespmem:s3+$0xF200];
	v31 =	vmul.f32 v24, v23;
	v1 =	vadd.f32 v28, v1  }
0x24b: {  	v32 =	vld [tilespmem:s3+$0x7200]  }
0x24c: {  	v36 =	vld [tilespmem:s3+$0xF400];
	v34 =	vmul.f32 v27, v26;
	v1 =	vadd.f32 v31, v1  }
0x24d: {  	v35 =	vld [tilespmem:s3+$0x7400]  }
0x24e: {  	v39 =	vld [tilespmem:s3+$0xF600];
	v37 =	vmul.f32 v30, v29;
	v1 =	vadd.f32 v34, v1  }
0x24f: {  	v38 =	vld [tilespmem:s3+$0x7600]  }
0x250: {  	v42 =	vld [tilespmem:s3+$0xF800];
	v40 =	vmul.f32 v33, v32;
	v1 =	vadd.f32 v37, v1  }
0x251: {  	v41 =	vld [tilespmem:s3+$0x7800]  }
0x252: {  	v45 =	vld [tilespmem:s3+$0xFA00];
	v43 =	vmul.f32 v36, v35;
	v1 =	vadd.f32 v40, v1  }
0x253: {  	v44 =	vld [tilespmem:s3+$0x7A00]  }
0x254: {  	v48 =	vld [tilespmem:s3+$0xFC00];
	v46 =	vmul.f32 v39, v38;
	v1 =	vadd.f32 v43, v1  }
0x255: {  	v47 =	vld [tilespmem:s3+$0x7C00]  }
0x256: {  	v51 =	vld [tilespmem:s3+$0xFE00];
	v49 =	vmul.f32 v42, v41;
	v1 =	vadd.f32 v46, v1  }
0x257: {  	v50 =	vld [tilespmem:s3+$0x7E00]  }
0x258: {  	v54 =	vld [tilespmem:s3+$0x10000];
	v52 =	vmul.f32 v45, v44;
	v1 =	vadd.f32 v49, v1  }
0x259: {  	v53 =	vld [tilespmem:s3+$0x8000]  }
0x25a: {  	v57 =	vld [tilespmem:s3+$0x10200];
	v55 =	vmul.f32 v48, v47;
	v1 =	vadd.f32 v52, v1  }
0x25b: {  	v56 =	vld [tilespmem:s3+$0x8200]  }
0x25c: {  	v58 =	vmul.f32 v51, v50;
	v1 =	vadd.f32 v55, v1;
	_ =	sdelay $0x1  }
0x25d: {  	v59 =	vmul.f32 v54, v53;
	v1 =	vadd.f32 v58, v1  }
0x25e: {  	v60 =	vld [tilespmem:s3+$0x10400]  }
0x25f: {  	v61 =	vmul.f32 v57, v56;
	v1 =	vadd.f32 v59, v1  }
0x260: {  	v62 =	vld [tilespmem:s3+$0x10600]  }
0x261: {  	v1 =	vadd.f32 v61, v1;
	_ =	sdelay $0x1  }
0x262: {  	v1 =	vadd.f32 v1, v60;
	_ =	sdelay $0x1  }
0x263: {  	v1 =	vadd.f32 v1, v62;
	_ =	sdelay $0x1  }
0x264: {  	s31 =	sadd.s32 $0x1, s31;
	v63 =	vadd.f32 v1, v0  }
0x265: {  	p0 =	sne.s32 s31, s17  }
.Ltmp2:
0x266: {  	s30 =	simm.s32 $0x10810;
	[tilespmem:s3+$0x10810] =	vst v63;
	(pc) =	sbr.rel @p0 .LBB2_1-.Ltmp2, $4  }
0x267: {  	[hbm4b:s16+s5] =	stream.linear.scatter [tilespmem:s30], [sflag:$0x3], $0x200, $0x38;
	[tilespmem:$0x10A10] =	vst v63  }
0x268: {  	_ =	swait.ge [sflag:s18], $0x200  }
0x269: {  	[sflag:s18] =	ssyncset.done $0x0  }
0x26a: {  	[sflag:s18] =	ssyncadd.s32 $0xFFFFFE00  }
0x26b: {  	_ =	sfence.sel $0x180000  }
0x26c: {  	[bflag:$0x0] =	sbarrier.arrive $0xFFFF  }
0x26d: {  	_ =	strace $0x90000047  }
0x26e: {  	s0 =	stileid.u32;
	[bflag:$0x2] =	sbarrier.arrive $0xFFFF  }
0x26f: {  	p0 =	sne.s32 s0, $0x0;
	s0 =	rddreg [dreg:$0x7]  }
0x270: {  	s0 =	sadd.s32 @!p0 $0x100000, s0  }
0x271: {  	[sflag:s0] =	ssyncadd.tile.s32 @!p0 $0x1;
	_ =	shalt  }
.Lfunc_end2:
_tile_overlayer_lowered:
.L_overlay_start_2:
0x272: {  	(tag) =	ssettag $0x2  }
0x273: {  	s0 =	rddreg [dreg:$0x0];
	s2 =	stileid.u32  }
0x274: {  	s1 =	rddreg [dreg:$0x1];
	p0 =	sne.s32 s2, $0x0  }
0x275: {  	s3 =	rddreg [dreg:$0x2];
	[bflag:$0x3] =	sbarrier.arrive $0xFFFF;
	s2 =	simm.s32 @!p0 $0x1C03  }
0x276: {  	[timem:s3], [sflag:s2] =	dma.local @!p0 [hbm:s0], s1  }
0x277: {  	s0 =	simm.s32 @!p0 $0x3  }
0x278: {  	_ =	swait.ge @!p0 [sflag:s0], s1  }
0x279: {  	s1 =	ssub.s32 @!p0 $0x0, s1;
	[sflag:s0] =	ssyncset.done @!p0 $0x0  }
0x27a: {  	[sflag:s0] =	ssyncadd.s32 @!p0 s1  }
0x27b: {  	[bflag:$0x3] =	sbarrier.arrive $0xFFFF  }
0x27c: {  	_ =	shalt  }

</sc_bundles>
